<compile_context>
chip_gen: v7x
topology: tpu7x:2x2x1
jax: 0.10.2.dev20260603
libtpu: 0.0.44.dev20260713+nightly
codegen_flags: <defaults>
</compile_context>

<pallas_src>
import math

import jax
import jax.numpy as jnp
from jax import lax
from jax.experimental import pallas as pl
from jax.experimental.pallas import tpu as pltpu
from jax.experimental.pallas import tpu_sc as plsc

N_NODES = 10000
N_EDGES = 320000
NODE_DIM = 128
EDGE_DIM = 16
N_HEADS = 8
D_K = NODE_DIM // N_HEADS
INV_SQRT_DK = 1.0 / math.sqrt(D_K)

N_PAD = 10240
NUM_TILES = 32
CHUNK = 128
CHUNKS_PER_TILE = 80
E_PAD = NUM_TILES * CHUNKS_PER_TILE * CHUNK
SCHUNK = 128
SCHUNKS_PER_TILE = E_PAD // (NUM_TILES * SCHUNK)
ROWS_PER_TILE = N_PAD // 16

_HI = jax.lax.Precision.HIGHEST


def _qkv_body(x, wq, bq, wk, bk, wv, bv, q_o, k_o, v_o):
    xv = x[...]
    q_o[...] = jnp.dot(xv, wq[...], preferred_element_type=jnp.float32,
                       precision=_HI) + bq[...]
    k_o[...] = jnp.dot(xv, wk[...], preferred_element_type=jnp.float32,
                       precision=_HI) + bk[...]
    v_o[...] = jnp.dot(xv, wv[...], preferred_element_type=jnp.float32,
                       precision=_HI) + bv[...]


def _qkv(nodes_pad, Wq, bq, Wk, bk, Wv, bv):
    blk = 1024
    grid = N_PAD // blk
    full = pl.BlockSpec((NODE_DIM, NODE_DIM), lambda i: (0, 0))
    bias = pl.BlockSpec((1, NODE_DIM), lambda i: (0, 0))
    nb = pl.BlockSpec((blk, NODE_DIM), lambda i: (i, 0))
    return pl.pallas_call(
        _qkv_body,
        grid=(grid,),
        in_specs=[nb, full, bias, full, bias, full, bias],
        out_specs=[nb, nb, nb],
        out_shape=[jax.ShapeDtypeStruct((N_PAD, NODE_DIM), jnp.float32)] * 3,
    )(nodes_pad, Wq, bq.reshape(1, -1), Wk, bk.reshape(1, -1),
      Wv, bv.reshape(1, -1))


def _gather_kernel(q_hbm, k_hbm, v_hbm, ridx_hbm, cidx_hbm,
                   qg_hbm, kg_hbm, vg_hbm,
                   ridx_v, cidx_v, qrows, krows, vrows, sem0, sem1, sem2):
    g = lax.axis_index("c") * 16 + lax.axis_index("s")
    c0 = g * CHUNKS_PER_TILE
    pltpu.sync_copy(ridx_hbm.at[pl.ds(c0, CHUNKS_PER_TILE)], ridx_v)
    pltpu.sync_copy(cidx_hbm.at[pl.ds(c0, CHUNKS_PER_TILE)], cidx_v)

    @pl.loop(0, CHUNKS_PER_TILE)
    def _(i):
        base = (c0 + i) * CHUNK
        cq = pltpu.async_copy(q_hbm.at[ridx_v.at[i]], qrows, sem0)
        ck = pltpu.async_copy(k_hbm.at[cidx_v.at[i]], krows, sem1)
        cv = pltpu.async_copy(v_hbm.at[cidx_v.at[i]], vrows, sem2)
        cq.wait()
        ck.wait()
        cv.wait()
        pltpu.sync_copy(qrows, qg_hbm.at[pl.ds(base, CHUNK)])
        pltpu.sync_copy(krows, kg_hbm.at[pl.ds(base, CHUNK)])
        pltpu.sync_copy(vrows, vg_hbm.at[pl.ds(base, CHUNK)])


def _gather(q, k, v, ridx, cidx):
    mesh = plsc.VectorSubcoreMesh(core_axis_name="c", subcore_axis_name="s")
    kern = pl.kernel(
        _gather_kernel,
        mesh=mesh,
        out_type=[jax.ShapeDtypeStruct((E_PAD, NODE_DIM), jnp.float32)] * 3,
        scratch_types=[
            pltpu.VMEM((CHUNKS_PER_TILE, CHUNK), jnp.int32),
            pltpu.VMEM((CHUNKS_PER_TILE, CHUNK), jnp.int32),
            pltpu.VMEM((CHUNK, NODE_DIM), jnp.float32),
            pltpu.VMEM((CHUNK, NODE_DIM), jnp.float32),
            pltpu.VMEM((CHUNK, NODE_DIM), jnp.float32),
            pltpu.SemaphoreType.DMA,
            pltpu.SemaphoreType.DMA,
            pltpu.SemaphoreType.DMA,
        ],
    )
    return kern(q, k, v, ridx, cidx)


def _edge_math_body(qg, kg, vg, ea, we, be, msg_o, w_o):
    ef = jnp.dot(ea[...], we[...], preferred_element_type=jnp.float32,
                 precision=_HI) + be[...]
    t = qg[...] * (kg[...] + ef)
    r = lax.broadcasted_iota(jnp.int32, (NODE_DIM, NODE_DIM), 0)
    c = lax.broadcasted_iota(jnp.int32, (NODE_DIM, NODE_DIM), 1)
    e8 = (r // D_K == c // D_K).astype(jnp.float32)
    scores = jnp.dot(t, e8, preferred_element_type=jnp.float32,
                     precision=_HI) * INV_SQRT_DK
    w = jnp.exp(scores)
    msg_o[...] = w * vg[...]
    w_o[...] = w


def _edge_math(qg, kg, vg, ea_pad, We, be):
    blk = 1024
    grid = E_PAD // blk
    eb = pl.BlockSpec((blk, NODE_DIM), lambda i: (i, 0))
    return pl.pallas_call(
        _edge_math_body,
        grid=(grid,),
        in_specs=[eb, eb, eb,
                  pl.BlockSpec((blk, EDGE_DIM), lambda i: (i, 0)),
                  pl.BlockSpec((EDGE_DIM, NODE_DIM), lambda i: (0, 0)),
                  pl.BlockSpec((1, NODE_DIM), lambda i: (0, 0))],
        out_specs=[eb, eb],
        out_shape=[jax.ShapeDtypeStruct((E_PAD, NODE_DIM), jnp.float32),
                   jax.ShapeDtypeStruct((E_PAD, NODE_DIM), jnp.float32)],
    )(qg, kg, vg, ea_pad, We, be.reshape(1, -1))


def _scatter_kernel(msg_hbm, w_hbm, ridx_hbm, z_hbm, num_out, den_out,
                    idx0, buf0, shared_acc, sem):
    cid = lax.axis_index("c")
    sid = lax.axis_index("s")
    g = cid * 16 + sid
    r0 = sid * ROWS_PER_TILE
    iota = lax.iota(jnp.int32, 16)
    c0 = g * SCHUNKS_PER_TILE
    pltpu.sync_copy(ridx_hbm.at[pl.ds(c0, SCHUNKS_PER_TILE)], idx0)

    for src_hbm, out_hbm in ((msg_hbm, num_out), (w_hbm, den_out)):
        pltpu.sync_copy(z_hbm, buf0.at[pl.ds(0, 64)])

        @pl.loop(0, ROWS_PER_TILE // 16)
        def _(j):
            idxv = r0 + j * 16 + iota
            pltpu.sync_copy(buf0.at[pl.ds(0, 16)], shared_acc.at[idxv])

        plsc.subcore_barrier()

        @pl.loop(0, SCHUNKS_PER_TILE)
        def _(i):
            cm = pltpu.async_copy(
                src_hbm.at[pl.ds((c0 + i) * SCHUNK, SCHUNK)], buf0, sem)
            cm.wait()
            pltpu.sync_copy(buf0, shared_acc.at[idx0.at[i, 0]], add=True)

        plsc.subcore_barrier()

        @pl.loop(0, ROWS_PER_TILE // 16)
        def _(j):
            rr = r0 + j * 16
            idxv = rr + iota
            pltpu.sync_copy(shared_acc.at[idxv], buf0.at[pl.ds(0, 16)])
            pltpu.sync_copy(buf0.at[pl.ds(0, 16)],
                            out_hbm.at[pl.ds(cid * N_PAD + rr, 16)])


def _scatter(msg, w, ridx, z):
    mesh = plsc.VectorSubcoreMesh(core_axis_name="c", subcore_axis_name="s")
    kern = pl.kernel(
        _scatter_kernel,
        mesh=mesh,
        out_type=[jax.ShapeDtypeStruct((2 * N_PAD, NODE_DIM), jnp.float32),
                  jax.ShapeDtypeStruct((2 * N_PAD, NODE_DIM), jnp.float32)],
        scratch_types=[
            pltpu.VMEM((SCHUNKS_PER_TILE, 1, SCHUNK), jnp.int32),
            pltpu.VMEM((SCHUNK, NODE_DIM), jnp.float32),
            pltpu.VMEM_SHARED((N_PAD, NODE_DIM), jnp.float32),
            pltpu.SemaphoreType.DMA,
        ],
    )
    return kern(msg, w, ridx.reshape(-1, 1, SCHUNK), z)


def _final_body(num, den, wo, bo, out):
    n = num[0] + num[1]
    d = den[0] + den[1]
    out[...] = jnp.dot(n * (1.0 / (d + 1e-8)), wo[...],
                       preferred_element_type=jnp.float32,
                       precision=_HI) + bo[...]


def _finalize(num_parts, den_parts, Wo, bo):
    blk = 1000
    grid = N_NODES // blk
    nb = pl.BlockSpec((2, blk, NODE_DIM), lambda i: (0, i, 0))
    return pl.pallas_call(
        _final_body,
        grid=(grid,),
        in_specs=[nb, nb,
                  pl.BlockSpec((NODE_DIM, NODE_DIM), lambda i: (0, 0)),
                  pl.BlockSpec((1, NODE_DIM), lambda i: (0, 0))],
        out_specs=pl.BlockSpec((blk, NODE_DIM), lambda i: (i, 0)),
        out_shape=jax.ShapeDtypeStruct((N_NODES, NODE_DIM), jnp.float32),
    )(num_parts, den_parts, Wo, bo.reshape(1, -1))


def kernel(nodes, edge_index, edge_attr, Wq, bq, Wk, bk, Wv, bv, We, be,
           Wo, bo):
    nodes_pad = jnp.pad(nodes, ((0, N_PAD - N_NODES), (0, 0)))
    q, k, v = _qkv(nodes_pad, Wq, bq, Wk, bk, Wv, bv)

    ea_pad = jnp.pad(edge_attr, ((0, E_PAD - N_EDGES), (0, 0)))

    row = edge_index[0].astype(jnp.int32)
    col = edge_index[1].astype(jnp.int32)
    pad_i = N_NODES + jnp.arange(E_PAD - N_EDGES, dtype=jnp.int32) % (
        N_PAD - N_NODES)
    ridx = jnp.concatenate([row, pad_i]).reshape(-1, CHUNK)
    cidx = jnp.concatenate([col, pad_i]).reshape(-1, CHUNK)

    qg, kg, vg = _gather(q, k, v, ridx, cidx)
    msg, w = _edge_math(qg, kg, vg, ea_pad, We, be)

    z = jnp.zeros((64, NODE_DIM), jnp.float32)
    num_parts, den_parts = _scatter(msg, w, ridx, z)

    return _finalize(num_parts.reshape(2, N_PAD, NODE_DIM),
                     den_parts.reshape(2, N_PAD, NODE_DIM), Wo, bo)

# --- scband reference (transcript-rebuilt; emitter-appended) ---
"""Pipeline reference for scband-graph-attention-82738249990883 (READ-ONLY COPY).

The authoritative reference and input builder live on the scoring server;
editing this copy changes nothing except your own understanding.
"""

import jax, jax.numpy as jnp
import numpy as np
import math

N_NODES = 10000
N_EDGES = 320000
NODE_DIM = 128
EDGE_DIM = 16
N_HEADS = 8
D_K = NODE_DIM // N_HEADS

def setup_inputs(seed: int = 0) -> dict:
    key = jax.random.key(seed)
    ks = jax.random.split(key, 16)
    nodes = jax.random.normal(ks[0], (N_NODES, NODE_DIM), dtype=jnp.float32)
    edge_index = jax.random.randint(ks[1], (2, N_EDGES), 0, N_NODES, dtype=jnp.int64)
    edge_attr = jax.random.normal(ks[2], (N_EDGES, EDGE_DIM), dtype=jnp.float32)
    s = 1.0 / math.sqrt(NODE_DIM)
    se = 1.0 / math.sqrt(EDGE_DIM)
    Wq = jax.random.uniform(ks[3], (NODE_DIM, NODE_DIM), jnp.float32, -s, s)
    bq = jax.random.uniform(ks[4], (NODE_DIM,), jnp.float32, -s, s)
    Wk = jax.random.uniform(ks[5], (NODE_DIM, NODE_DIM), jnp.float32, -s, s)
    bk = jax.random.uniform(ks[6], (NODE_DIM,), jnp.float32, -s, s)
    Wv = jax.random.uniform(ks[7], (NODE_DIM, NODE_DIM), jnp.float32, -s, s)
    bv = jax.random.uniform(ks[8], (NODE_DIM,), jnp.float32, -s, s)
    We = jax.random.uniform(ks[9], (EDGE_DIM, NODE_DIM), jnp.float32, -se, se)
    be = jax.random.uniform(ks[10], (NODE_DIM,), jnp.float32, -se, se)
    Wo = jax.random.uniform(ks[11], (NODE_DIM, NODE_DIM), jnp.float32, -s, s)
    bo = jax.random.uniform(ks[12], (NODE_DIM,), jnp.float32, -s, s)
    return {"nodes": nodes, "edge_index": edge_index, "edge_attr": edge_attr,
            "Wq": Wq, "bq": bq, "Wk": Wk, "bk": bk, "Wv": Wv, "bv": bv,
            "We": We, "be": be, "Wo": Wo, "bo": bo}

def reference(nodes, edge_index, edge_attr, Wq, bq, Wk, bk, Wv, bv, We, be, Wo, bo):
    N = nodes.shape[0]
    Q = (nodes @ Wq + bq).reshape(N, N_HEADS, D_K)
    K = (nodes @ Wk + bk).reshape(N, N_HEADS, D_K)
    V = (nodes @ Wv + bv).reshape(N, N_HEADS, D_K)
    row = edge_index[0]
    col = edge_index[1]
    inv_sqrt_dk = 1.0 / math.sqrt(D_K)
    qk_scores = (Q[row] * K[col]).sum(axis=-1) * inv_sqrt_dk
    edge_features = (edge_attr @ We + be).reshape(-1, N_HEADS, D_K)
    edge_contrib = (Q[row] * edge_features).sum(axis=-1) * inv_sqrt_dk
    qk_scores = qk_scores + edge_contrib
    exp_scores = jnp.exp(qk_scores)
    denom = jnp.zeros((N, N_HEADS), dtype=nodes.dtype).at[row].add(exp_scores)
    attention_weights = exp_scores / (denom[row] + 1e-08)
    messages = attention_weights[..., None] * V[col]
    out = jnp.zeros((N, N_HEADS, D_K), dtype=nodes.dtype).at[row].add(messages)
    out = out.reshape(N, -1)
    return out @ Wo + bo

if __name__ == "__main__":
    import jax
    _d = setup_inputs()
    print(jax.jit(kernel)(*tuple(_d.values())))

</pallas_src>

<mosaic_0001>
#map = affine_map<(d0, d1) -> (0, 0)>
module attributes {stable_mosaic.version = 14 : i64} {
  func.func @_gather_kernel(%arg0: i32, %arg1: i32, %arg2: memref<10240x128xf32, #tpu.memory_space<hbm>>, %arg3: memref<10240x128xf32, #tpu.memory_space<hbm>>, %arg4: memref<10240x128xf32, #tpu.memory_space<hbm>>, %arg5: memref<2560x128xi32, #tpu.memory_space<hbm>>, %arg6: memref<2560x128xi32, #tpu.memory_space<hbm>>, %arg7: memref<327680x128xf32, #tpu.memory_space<hbm>>, %arg8: memref<327680x128xf32, #tpu.memory_space<hbm>>, %arg9: memref<327680x128xf32, #tpu.memory_space<hbm>>, %arg10: memref<80x128xi32, #tpu.memory_space<vmem>>, %arg11: memref<80x128xi32, #tpu.memory_space<vmem>>, %arg12: memref<128x128xf32, #tpu.memory_space<vmem>>, %arg13: memref<128x128xf32, #tpu.memory_space<vmem>>, %arg14: memref<128x128xf32, #tpu.memory_space<vmem>>, %arg15: memref<!tpu.dma_semaphore, #tpu.memory_space<semaphore_mem>>, %arg16: memref<!tpu.dma_semaphore, #tpu.memory_space<semaphore_mem>>, %arg17: memref<!tpu.dma_semaphore, #tpu.memory_space<semaphore_mem>>) attributes {dimension_semantics = [#tpu.dimension_semantics<core_parallel>, #tpu.dimension_semantics<subcore_parallel>], iteration_bounds = array<i64: 2, 16>, scalar_prefetch = 0 : i64, scratch_operands = 8 : i64, tpu.core_type = #tpu.core_type<sc_vector_subcore>, window_params = [{transform_indices = #map}, {transform_indices = #map}, {transform_indices = #map}, {transform_indices = #map}, {transform_indices = #map}, {transform_indices = #map}, {transform_indices = #map}, {transform_indices = #map}]} {
    %mul3A = arith.constant 16 : i32
    %mul3A_0 = arith.muli %arg0, %mul3A : i32
    %add3A = arith.addi %mul3A_0, %arg1 : i32
    %mul3A_1 = arith.constant 80 : i32
    %mul3A_2 = arith.muli %add3A, %mul3A_1 : i32
    "tpu.region"() ({
      %run_scoped3A = tpu.sem_alloc : memref<!tpu.dma_semaphore, #tpu.memory_space<semaphore_mem>>
      %dma_start3A = arith.constant 0 : i32
      %dma_start3A_7 = tpu.memref_slice %arg5[%mul3A_2, %dma_start3A] : memref<2560x128xi32, #tpu.memory_space<hbm>> -> memref<80x128xi32, #tpu.memory_space<hbm>>
      %dma_start3A_8 = arith.constant 0 : i32
      %dma_start3A_9 = tpu.memref_slice %arg5[%mul3A_2, %dma_start3A_8] : memref<2560x128xi32, #tpu.memory_space<hbm>> -> memref<80x128xi32, #tpu.memory_space<hbm>>
      tpu.enqueue_dma source(%dma_start3A_9 : memref<80x128xi32, #tpu.memory_space<hbm>>) target(%arg10 : memref<80x128xi32, #tpu.memory_space<vmem>>) target_semaphore(%run_scoped3A : memref<!tpu.dma_semaphore, #tpu.memory_space<semaphore_mem>>)
      %dma_wait3A = arith.constant 0 : i32
      %dma_wait3A_10 = tpu.memref_slice %arg5[%mul3A_2, %dma_wait3A] : memref<2560x128xi32, #tpu.memory_space<hbm>> -> memref<80x128xi32, #tpu.memory_space<hbm>>
      %dma_wait3A_11 = arith.constant 0 : i32
      %dma_wait3A_12 = tpu.memref_slice %arg5[%mul3A_2, %dma_wait3A_11] : memref<2560x128xi32, #tpu.memory_space<hbm>> -> memref<80x128xi32, #tpu.memory_space<hbm>>
      tpu.wait_dma2 semaphore(%run_scoped3A : memref<!tpu.dma_semaphore, #tpu.memory_space<semaphore_mem>>) src(%dma_wait3A_12 : memref<80x128xi32, #tpu.memory_space<hbm>>) dst(%arg10 : memref<80x128xi32, #tpu.memory_space<vmem>>)
      tpu.yield
    }) : () -> ()
    "tpu.region"() ({
      %run_scoped3A = tpu.sem_alloc : memref<!tpu.dma_semaphore, #tpu.memory_space<semaphore_mem>>
      %dma_start3A = arith.constant 0 : i32
      %dma_start3A_7 = tpu.memref_slice %arg6[%mul3A_2, %dma_start3A] : memref<2560x128xi32, #tpu.memory_space<hbm>> -> memref<80x128xi32, #tpu.memory_space<hbm>>
      %dma_start3A_8 = arith.constant 0 : i32
      %dma_start3A_9 = tpu.memref_slice %arg6[%mul3A_2, %dma_start3A_8] : memref<2560x128xi32, #tpu.memory_space<hbm>> -> memref<80x128xi32, #tpu.memory_space<hbm>>
      tpu.enqueue_dma source(%dma_start3A_9 : memref<80x128xi32, #tpu.memory_space<hbm>>) target(%arg11 : memref<80x128xi32, #tpu.memory_space<vmem>>) target_semaphore(%run_scoped3A : memref<!tpu.dma_semaphore, #tpu.memory_space<semaphore_mem>>)
      %dma_wait3A = arith.constant 0 : i32
      %dma_wait3A_10 = tpu.memref_slice %arg6[%mul3A_2, %dma_wait3A] : memref<2560x128xi32, #tpu.memory_space<hbm>> -> memref<80x128xi32, #tpu.memory_space<hbm>>
      %dma_wait3A_11 = arith.constant 0 : i32
      %dma_wait3A_12 = tpu.memref_slice %arg6[%mul3A_2, %dma_wait3A_11] : memref<2560x128xi32, #tpu.memory_space<hbm>> -> memref<80x128xi32, #tpu.memory_space<hbm>>
      tpu.wait_dma2 semaphore(%run_scoped3A : memref<!tpu.dma_semaphore, #tpu.memory_space<semaphore_mem>>) src(%dma_wait3A_12 : memref<80x128xi32, #tpu.memory_space<hbm>>) dst(%arg11 : memref<80x128xi32, #tpu.memory_space<vmem>>)
      tpu.yield
    }) : () -> ()
    %scan3A = arith.constant 0 : i32
    %scan3A_3 = arith.constant 80 : i32
    %scan3A_4 = arith.addi %scan3A, %scan3A_3 : i32
    %scan3A_5 = arith.constant 1 : i32
    scf.for %scan3A_7 = %scan3A to %scan3A_4 step %scan3A_5  : i32 {
      %mul3A_8 = arith.constant 1 : i32
      %mul3A_9 = arith.muli %scan3A_7, %mul3A_8 : i32
      %add3A_10 = arith.constant 0 : i32
      %add3A_11 = arith.addi %add3A_10, %mul3A_9 : i32
      %add3A_12 = arith.addi %mul3A_2, %add3A_11 : i32
      %mul3A_13 = arith.constant 128 : i32
      %mul3A_14 = arith.muli %add3A_12, %mul3A_13 : i32
      %dma_start3A = arith.constant 0 : i32
      %dma_start3A_15 = tpu.memref_slice %arg10[%add3A_11, %dma_start3A] : memref<80x128xi32, #tpu.memory_space<vmem>> -> memref<1x128xi32, #tpu.memory_space<vmem>>
      %dma_start3A_16 = tpu.memref_squeeze %dma_start3A_15 : memref<1x128xi32, #tpu.memory_space<vmem>> -> memref<128xi32, #tpu.memory_space<vmem>>
      %dma_start3A_17 = arith.constant 0 : i32
      %dma_start3A_18 = arith.constant 0 : i32
      %dma_start3A_19 = tpu.memref_slice %arg2[%dma_start3A_17, %dma_start3A_18] : memref<10240x128xf32, #tpu.memory_space<hbm>> -> memref<10240x128xf32, #tpu.memory_space<hbm>>
      tpu.enqueue_indirect_dma source(%dma_start3A_19 : memref<10240x128xf32, #tpu.memory_space<hbm>>) target(%arg12 : memref<128x128xf32, #tpu.memory_space<vmem>>) offsets(%dma_start3A_16 : memref<128xi32, #tpu.memory_space<vmem>>) semaphore(%arg15 : memref<!tpu.dma_semaphore, #tpu.memory_space<semaphore_mem>>)
      %dma_start3A_20 = arith.constant 0 : i32
      %dma_start3A_21 = tpu.memref_slice %arg11[%add3A_11, %dma_start3A_20] : memref<80x128xi32, #tpu.memory_space<vmem>> -> memref<1x128xi32, #tpu.memory_space<vmem>>
      %dma_start3A_22 = tpu.memref_squeeze %dma_start3A_21 : memref<1x128xi32, #tpu.memory_space<vmem>> -> memref<128xi32, #tpu.memory_space<vmem>>
      %dma_start3A_23 = arith.constant 0 : i32
      %dma_start3A_24 = arith.constant 0 : i32
      %dma_start3A_25 = tpu.memref_slice %arg3[%dma_start3A_23, %dma_start3A_24] : memref<10240x128xf32, #tpu.memory_space<hbm>> -> memref<10240x128xf32, #tpu.memory_space<hbm>>
      tpu.enqueue_indirect_dma source(%dma_start3A_25 : memref<10240x128xf32, #tpu.memory_space<hbm>>) target(%arg13 : memref<128x128xf32, #tpu.memory_space<vmem>>) offsets(%dma_start3A_22 : memref<128xi32, #tpu.memory_space<vmem>>) semaphore(%arg16 : memref<!tpu.dma_semaphore, #tpu.memory_space<semaphore_mem>>)
      %dma_start3A_26 = arith.constant 0 : i32
      %dma_start3A_27 = tpu.memref_slice %arg11[%add3A_11, %dma_start3A_26] : memref<80x128xi32, #tpu.memory_space<vmem>> -> memref<1x128xi32, #tpu.memory_space<vmem>>
      %dma_start3A_28 = tpu.memref_squeeze %dma_start3A_27 : memref<1x128xi32, #tpu.memory_space<vmem>> -> memref<128xi32, #tpu.memory_space<vmem>>
      %dma_start3A_29 = arith.constant 0 : i32
      %dma_start3A_30 = arith.constant 0 : i32
      %dma_start3A_31 = tpu.memref_slice %arg4[%dma_start3A_29, %dma_start3A_30] : memref<10240x128xf32, #tpu.memory_space<hbm>> -> memref<10240x128xf32, #tpu.memory_space<hbm>>
      tpu.enqueue_indirect_dma source(%dma_start3A_31 : memref<10240x128xf32, #tpu.memory_space<hbm>>) target(%arg14 : memref<128x128xf32, #tpu.memory_space<vmem>>) offsets(%dma_start3A_28 : memref<128xi32, #tpu.memory_space<vmem>>) semaphore(%arg17 : memref<!tpu.dma_semaphore, #tpu.memory_space<semaphore_mem>>)
      %dma_wait3A = arith.constant 0 : i32
      %dma_wait3A_32 = tpu.memref_slice %arg10[%add3A_11, %dma_wait3A] : memref<80x128xi32, #tpu.memory_space<vmem>> -> memref<1x128xi32, #tpu.memory_space<vmem>>
      %dma_wait3A_33 = tpu.memref_squeeze %dma_wait3A_32 : memref<1x128xi32, #tpu.memory_space<vmem>> -> memref<128xi32, #tpu.memory_space<vmem>>
      %dma_wait3A_34 = arith.constant 0 : i32
      %dma_wait3A_35 = arith.constant 0 : i32
      %dma_wait3A_36 = tpu.memref_slice %arg2[%dma_wait3A_34, %dma_wait3A_35] : memref<10240x128xf32, #tpu.memory_space<hbm>> -> memref<10240x128xf32, #tpu.memory_space<hbm>>
      tpu.wait_indirect_dma semaphore(%arg15 : memref<!tpu.dma_semaphore, #tpu.memory_space<semaphore_mem>>) src(%dma_wait3A_36 : memref<10240x128xf32, #tpu.memory_space<hbm>>) dst(%arg12 : memref<128x128xf32, #tpu.memory_space<vmem>>)
      %dma_wait3A_37 = arith.constant 0 : i32
      %dma_wait3A_38 = tpu.memref_slice %arg11[%add3A_11, %dma_wait3A_37] : memref<80x128xi32, #tpu.memory_space<vmem>> -> memref<1x128xi32, #tpu.memory_space<vmem>>
      %dma_wait3A_39 = tpu.memref_squeeze %dma_wait3A_38 : memref<1x128xi32, #tpu.memory_space<vmem>> -> memref<128xi32, #tpu.memory_space<vmem>>
      %dma_wait3A_40 = arith.constant 0 : i32
      %dma_wait3A_41 = arith.constant 0 : i32
      %dma_wait3A_42 = tpu.memref_slice %arg3[%dma_wait3A_40, %dma_wait3A_41] : memref<10240x128xf32, #tpu.memory_space<hbm>> -> memref<10240x128xf32, #tpu.memory_space<hbm>>
      tpu.wait_indirect_dma semaphore(%arg16 : memref<!tpu.dma_semaphore, #tpu.memory_space<semaphore_mem>>) src(%dma_wait3A_42 : memref<10240x128xf32, #tpu.memory_space<hbm>>) dst(%arg13 : memref<128x128xf32, #tpu.memory_space<vmem>>)
      %dma_wait3A_43 = arith.constant 0 : i32
      %dma_wait3A_44 = tpu.memref_slice %arg11[%add3A_11, %dma_wait3A_43] : memref<80x128xi32, #tpu.memory_space<vmem>> -> memref<1x128xi32, #tpu.memory_space<vmem>>
      %dma_wait3A_45 = tpu.memref_squeeze %dma_wait3A_44 : memref<1x128xi32, #tpu.memory_space<vmem>> -> memref<128xi32, #tpu.memory_space<vmem>>
      %dma_wait3A_46 = arith.constant 0 : i32
      %dma_wait3A_47 = arith.constant 0 : i32
      %dma_wait3A_48 = tpu.memref_slice %arg4[%dma_wait3A_46, %dma_wait3A_47] : memref<10240x128xf32, #tpu.memory_space<hbm>> -> memref<10240x128xf32, #tpu.memory_space<hbm>>
      tpu.wait_indirect_dma semaphore(%arg17 : memref<!tpu.dma_semaphore, #tpu.memory_space<semaphore_mem>>) src(%dma_wait3A_48 : memref<10240x128xf32, #tpu.memory_space<hbm>>) dst(%arg14 : memref<128x128xf32, #tpu.memory_space<vmem>>)
      "tpu.region"() ({
        %run_scoped3A = tpu.sem_alloc : memref<!tpu.dma_semaphore, #tpu.memory_space<semaphore_mem>>
        %dma_start3A_49 = arith.constant 0 : i32
        %dma_start3A_50 = tpu.memref_slice %arg7[%mul3A_14, %dma_start3A_49] : memref<327680x128xf32, #tpu.memory_space<hbm>> -> memref<128x128xf32, #tpu.memory_space<hbm>>
        %dma_start3A_51 = arith.constant 0 : i32
        %dma_start3A_52 = tpu.memref_slice %arg7[%mul3A_14, %dma_start3A_51] : memref<327680x128xf32, #tpu.memory_space<hbm>> -> memref<128x128xf32, #tpu.memory_space<hbm>>
        tpu.enqueue_dma source(%arg12 : memref<128x128xf32, #tpu.memory_space<vmem>>) target(%dma_start3A_52 : memref<128x128xf32, #tpu.memory_space<hbm>>) target_semaphore(%run_scoped3A : memref<!tpu.dma_semaphore, #tpu.memory_space<semaphore_mem>>)
        %dma_wait3A_53 = arith.constant 0 : i32
        %dma_wait3A_54 = tpu.memref_slice %arg7[%mul3A_14, %dma_wait3A_53] : memref<327680x128xf32, #tpu.memory_space<hbm>> -> memref<128x128xf32, #tpu.memory_space<hbm>>
        %dma_wait3A_55 = arith.constant 0 : i32
        %dma_wait3A_56 = tpu.memref_slice %arg7[%mul3A_14, %dma_wait3A_55] : memref<327680x128xf32, #tpu.memory_space<hbm>> -> memref<128x128xf32, #tpu.memory_space<hbm>>
        tpu.wait_dma2 semaphore(%run_scoped3A : memref<!tpu.dma_semaphore, #tpu.memory_space<semaphore_mem>>) src(%arg12 : memref<128x128xf32, #tpu.memory_space<vmem>>) dst(%dma_wait3A_56 : memref<128x128xf32, #tpu.memory_space<hbm>>)
        tpu.yield
      }) : () -> ()
      "tpu.region"() ({
        %run_scoped3A = tpu.sem_alloc : memref<!tpu.dma_semaphore, #tpu.memory_space<semaphore_mem>>
        %dma_start3A_49 = arith.constant 0 : i32
        %dma_start3A_50 = tpu.memref_slice %arg8[%mul3A_14, %dma_start3A_49] : memref<327680x128xf32, #tpu.memory_space<hbm>> -> memref<128x128xf32, #tpu.memory_space<hbm>>
        %dma_start3A_51 = arith.constant 0 : i32
        %dma_start3A_52 = tpu.memref_slice %arg8[%mul3A_14, %dma_start3A_51] : memref<327680x128xf32, #tpu.memory_space<hbm>> -> memref<128x128xf32, #tpu.memory_space<hbm>>
        tpu.enqueue_dma source(%arg13 : memref<128x128xf32, #tpu.memory_space<vmem>>) target(%dma_start3A_52 : memref<128x128xf32, #tpu.memory_space<hbm>>) target_semaphore(%run_scoped3A : memref<!tpu.dma_semaphore, #tpu.memory_space<semaphore_mem>>)
        %dma_wait3A_53 = arith.constant 0 : i32
        %dma_wait3A_54 = tpu.memref_slice %arg8[%mul3A_14, %dma_wait3A_53] : memref<327680x128xf32, #tpu.memory_space<hbm>> -> memref<128x128xf32, #tpu.memory_space<hbm>>
        %dma_wait3A_55 = arith.constant 0 : i32
        %dma_wait3A_56 = tpu.memref_slice %arg8[%mul3A_14, %dma_wait3A_55] : memref<327680x128xf32, #tpu.memory_space<hbm>> -> memref<128x128xf32, #tpu.memory_space<hbm>>
        tpu.wait_dma2 semaphore(%run_scoped3A : memref<!tpu.dma_semaphore, #tpu.memory_space<semaphore_mem>>) src(%arg13 : memref<128x128xf32, #tpu.memory_space<vmem>>) dst(%dma_wait3A_56 : memref<128x128xf32, #tpu.memory_space<hbm>>)
        tpu.yield
      }) : () -> ()
      "tpu.region"() ({
        %run_scoped3A = tpu.sem_alloc : memref<!tpu.dma_semaphore, #tpu.memory_space<semaphore_mem>>
        %dma_start3A_49 = arith.constant 0 : i32
        %dma_start3A_50 = tpu.memref_slice %arg9[%mul3A_14, %dma_start3A_49] : memref<327680x128xf32, #tpu.memory_space<hbm>> -> memref<128x128xf32, #tpu.memory_space<hbm>>
        %dma_start3A_51 = arith.constant 0 : i32
        %dma_start3A_52 = tpu.memref_slice %arg9[%mul3A_14, %dma_start3A_51] : memref<327680x128xf32, #tpu.memory_space<hbm>> -> memref<128x128xf32, #tpu.memory_space<hbm>>
        tpu.enqueue_dma source(%arg14 : memref<128x128xf32, #tpu.memory_space<vmem>>) target(%dma_start3A_52 : memref<128x128xf32, #tpu.memory_space<hbm>>) target_semaphore(%run_scoped3A : memref<!tpu.dma_semaphore, #tpu.memory_space<semaphore_mem>>)
        %dma_wait3A_53 = arith.constant 0 : i32
        %dma_wait3A_54 = tpu.memref_slice %arg9[%mul3A_14, %dma_wait3A_53] : memref<327680x128xf32, #tpu.memory_space<hbm>> -> memref<128x128xf32, #tpu.memory_space<hbm>>
        %dma_wait3A_55 = arith.constant 0 : i32
        %dma_wait3A_56 = tpu.memref_slice %arg9[%mul3A_14, %dma_wait3A_55] : memref<327680x128xf32, #tpu.memory_space<hbm>> -> memref<128x128xf32, #tpu.memory_space<hbm>>
        tpu.wait_dma2 semaphore(%run_scoped3A : memref<!tpu.dma_semaphore, #tpu.memory_space<semaphore_mem>>) src(%arg14 : memref<128x128xf32, #tpu.memory_space<vmem>>) dst(%dma_wait3A_56 : memref<128x128xf32, #tpu.memory_space<hbm>>)
        tpu.yield
      }) : () -> ()
    }
    %scan3A_6 = arith.constant 80 : i32
    return
  }
}

#map = affine_map<(d0, d1) -> (0, 0)>
#map1 = affine_map<(d0, d1) -> (0, 0, 0)>
module attributes {stable_mosaic.version = 14 : i64} {
  func.func @_scatter_kernel(%arg0: i32, %arg1: i32, %arg2: memref<327680x128xf32, #tpu.memory_space<hbm>>, %arg3: memref<327680x128xf32, #tpu.memory_space<hbm>>, %arg4: memref<2560x1x128xi32, #tpu.memory_space<hbm>>, %arg5: memref<64x128xf32, #tpu.memory_space<hbm>>, %arg6: memref<20480x128xf32, #tpu.memory_space<hbm>>, %arg7: memref<20480x128xf32, #tpu.memory_space<hbm>>, %arg8: memref<80x1x128xi32, #tpu.memory_space<vmem>>, %arg9: memref<128x128xf32, #tpu.memory_space<vmem>>, %arg10: memref<10240x128xf32, #tpu.memory_space<vmem_shared>>, %arg11: memref<!tpu.dma_semaphore, #tpu.memory_space<semaphore_mem>>) attributes {dimension_semantics = [#tpu.dimension_semantics<core_parallel>, #tpu.dimension_semantics<subcore_parallel>], iteration_bounds = array<i64: 2, 16>, scalar_prefetch = 0 : i64, scratch_operands = 4 : i64, tpu.core_type = #tpu.core_type<sc_vector_subcore>, window_params = [{transform_indices = #map}, {transform_indices = #map}, {transform_indices = #map1}, {transform_indices = #map}, {transform_indices = #map}, {transform_indices = #map}]} {
    %mul3A = arith.constant 16 : i32
    %mul3A_0 = arith.muli %arg0, %mul3A : i32
    %add3A = arith.addi %mul3A_0, %arg1 : i32
    %mul3A_1 = arith.constant 640 : i32
    %mul3A_2 = arith.muli %arg1, %mul3A_1 : i32
    %iota3A = tpu.iota {dimensions = array<i32: 0>} : vector<16xi32>
    %mul3A_3 = arith.constant 80 : i32
    %mul3A_4 = arith.muli %add3A, %mul3A_3 : i32
    "tpu.region"() ({
      %run_scoped3A = tpu.sem_alloc : memref<!tpu.dma_semaphore, #tpu.memory_space<semaphore_mem>>
      %dma_start3A = arith.constant 0 : i32
      %dma_start3A_37 = arith.constant 0 : i32
      %dma_start3A_38 = tpu.memref_slice %arg4[%mul3A_4, %dma_start3A, %dma_start3A_37] : memref<2560x1x128xi32, #tpu.memory_space<hbm>> -> memref<80x1x128xi32, #tpu.memory_space<hbm>>
      %dma_start3A_39 = arith.constant 0 : i32
      %dma_start3A_40 = arith.constant 0 : i32
      %dma_start3A_41 = tpu.memref_slice %arg4[%mul3A_4, %dma_start3A_39, %dma_start3A_40] : memref<2560x1x128xi32, #tpu.memory_space<hbm>> -> memref<80x1x128xi32, #tpu.memory_space<hbm>>
      tpu.enqueue_dma source(%dma_start3A_41 : memref<80x1x128xi32, #tpu.memory_space<hbm>>) target(%arg8 : memref<80x1x128xi32, #tpu.memory_space<vmem>>) target_semaphore(%run_scoped3A : memref<!tpu.dma_semaphore, #tpu.memory_space<semaphore_mem>>)
      %dma_wait3A = arith.constant 0 : i32
      %dma_wait3A_42 = arith.constant 0 : i32
      %dma_wait3A_43 = tpu.memref_slice %arg4[%mul3A_4, %dma_wait3A, %dma_wait3A_42] : memref<2560x1x128xi32, #tpu.memory_space<hbm>> -> memref<80x1x128xi32, #tpu.memory_space<hbm>>
      %dma_wait3A_44 = arith.constant 0 : i32
      %dma_wait3A_45 = arith.constant 0 : i32
      %dma_wait3A_46 = tpu.memref_slice %arg4[%mul3A_4, %dma_wait3A_44, %dma_wait3A_45] : memref<2560x1x128xi32, #tpu.memory_space<hbm>> -> memref<80x1x128xi32, #tpu.memory_space<hbm>>
      tpu.wait_dma2 semaphore(%run_scoped3A : memref<!tpu.dma_semaphore, #tpu.memory_space<semaphore_mem>>) src(%dma_wait3A_46 : memref<80x1x128xi32, #tpu.memory_space<hbm>>) dst(%arg8 : memref<80x1x128xi32, #tpu.memory_space<vmem>>)
      tpu.yield
    }) : () -> ()
    "tpu.region"() ({
      %run_scoped3A = tpu.sem_alloc : memref<!tpu.dma_semaphore, #tpu.memory_space<semaphore_mem>>
      %dma_start3A = arith.constant 0 : i32
      %dma_start3A_37 = arith.constant 0 : i32
      %dma_start3A_38 = tpu.memref_slice %arg9[%dma_start3A, %dma_start3A_37] : memref<128x128xf32, #tpu.memory_space<vmem>> -> memref<64x128xf32, #tpu.memory_space<vmem>>
      %dma_start3A_39 = arith.constant 0 : i32
      %dma_start3A_40 = arith.constant 0 : i32
      %dma_start3A_41 = tpu.memref_slice %arg9[%dma_start3A_39, %dma_start3A_40] : memref<128x128xf32, #tpu.memory_space<vmem>> -> memref<64x128xf32, #tpu.memory_space<vmem>>
      tpu.enqueue_dma source(%arg5 : memref<64x128xf32, #tpu.memory_space<hbm>>) target(%dma_start3A_41 : memref<64x128xf32, #tpu.memory_space<vmem>>) target_semaphore(%run_scoped3A : memref<!tpu.dma_semaphore, #tpu.memory_space<semaphore_mem>>)
      %dma_wait3A = arith.constant 0 : i32
      %dma_wait3A_42 = arith.constant 0 : i32
      %dma_wait3A_43 = tpu.memref_slice %arg9[%dma_wait3A, %dma_wait3A_42] : memref<128x128xf32, #tpu.memory_space<vmem>> -> memref<64x128xf32, #tpu.memory_space<vmem>>
      %dma_wait3A_44 = arith.constant 0 : i32
      %dma_wait3A_45 = arith.constant 0 : i32
      %dma_wait3A_46 = tpu.memref_slice %arg9[%dma_wait3A_44, %dma_wait3A_45] : memref<128x128xf32, #tpu.memory_space<vmem>> -> memref<64x128xf32, #tpu.memory_space<vmem>>
      tpu.wait_dma2 semaphore(%run_scoped3A : memref<!tpu.dma_semaphore, #tpu.memory_space<semaphore_mem>>) src(%arg5 : memref<64x128xf32, #tpu.memory_space<hbm>>) dst(%dma_wait3A_46 : memref<64x128xf32, #tpu.memory_space<vmem>>)
      tpu.yield
    }) : () -> ()
    %scan3A = arith.constant 0 : i32
    %scan3A_5 = arith.constant 40 : i32
    %scan3A_6 = arith.addi %scan3A, %scan3A_5 : i32
    %scan3A_7 = arith.constant 1 : i32
    scf.for %scan3A_37 = %scan3A to %scan3A_6 step %scan3A_7  : i32 {
      %mul3A_38 = arith.constant 1 : i32
      %mul3A_39 = arith.muli %scan3A_37, %mul3A_38 : i32
      %add3A_40 = arith.constant 0 : i32
      %add3A_41 = arith.addi %add3A_40, %mul3A_39 : i32
      %mul3A_42 = arith.constant 16 : i32
      %mul3A_43 = arith.muli %add3A_41, %mul3A_42 : i32
      %add3A_44 = arith.addi %mul3A_2, %mul3A_43 : i32
      %add3A_45 = vector.broadcast %add3A_44 : i32 to vector<16xi32>
      %add3A_46 = arith.addi %add3A_45, %iota3A : vector<16xi32>
      "tpu.region"() ({
        %run_scoped3A = tpu.sem_alloc : memref<!tpu.dma_semaphore, #tpu.memory_space<semaphore_mem>>
        %dma_start3A = arith.constant 0 : i32
        %dma_start3A_47 = arith.constant 0 : i32
        %dma_start3A_48 = tpu.memref_slice %arg9[%dma_start3A, %dma_start3A_47] : memref<128x128xf32, #tpu.memory_space<vmem>> -> memref<16x128xf32, #tpu.memory_space<vmem>>
        %dma_start3A_49 = arith.constant 0 : i32
        %dma_start3A_50 = arith.constant 0 : i32
        %dma_start3A_51 = tpu.memref_slice %arg10[%dma_start3A_49, %dma_start3A_50] : memref<10240x128xf32, #tpu.memory_space<vmem_shared>> -> memref<10240x128xf32, #tpu.memory_space<vmem_shared>>
        tpu.enqueue_indirect_dma source(%dma_start3A_48 : memref<16x128xf32, #tpu.memory_space<vmem>>) target(%dma_start3A_51 : memref<10240x128xf32, #tpu.memory_space<vmem_shared>>) offsets(%add3A_46 : vector<16xi32>) semaphore(%run_scoped3A : memref<!tpu.dma_semaphore, #tpu.memory_space<semaphore_mem>>)
        %dma_wait3A = arith.constant 0 : i32
        %dma_wait3A_52 = arith.constant 0 : i32
        %dma_wait3A_53 = tpu.memref_slice %arg9[%dma_wait3A, %dma_wait3A_52] : memref<128x128xf32, #tpu.memory_space<vmem>> -> memref<16x128xf32, #tpu.memory_space<vmem>>
        %dma_wait3A_54 = arith.constant 0 : i32
        %dma_wait3A_55 = arith.constant 0 : i32
        %dma_wait3A_56 = tpu.memref_slice %arg10[%dma_wait3A_54, %dma_wait3A_55] : memref<10240x128xf32, #tpu.memory_space<vmem_shared>> -> memref<10240x128xf32, #tpu.memory_space<vmem_shared>>
        tpu.wait_indirect_dma semaphore(%run_scoped3A : memref<!tpu.dma_semaphore, #tpu.memory_space<semaphore_mem>>) src(%dma_wait3A_53 : memref<16x128xf32, #tpu.memory_space<vmem>>) dst(%dma_wait3A_56 : memref<10240x128xf32, #tpu.memory_space<vmem_shared>>)
        tpu.yield
      }) : () -> ()
    }
    %scan3A_8 = arith.constant 40 : i32
    %barrier3A = arith.constant 0 : index
    tpu.barrier barrier_id(%barrier3A)
    %scan3A_9 = arith.constant 0 : i32
    %scan3A_10 = arith.constant 80 : i32
    %scan3A_11 = arith.addi %scan3A_9, %scan3A_10 : i32
    %scan3A_12 = arith.constant 1 : i32
    scf.for %scan3A_37 = %scan3A_9 to %scan3A_11 step %scan3A_12  : i32 {
      %mul3A_38 = arith.constant 1 : i32
      %mul3A_39 = arith.muli %scan3A_37, %mul3A_38 : i32
      %add3A_40 = arith.constant 0 : i32
      %add3A_41 = arith.addi %add3A_40, %mul3A_39 : i32
      %add3A_42 = arith.addi %mul3A_4, %add3A_41 : i32
      %mul3A_43 = arith.constant 128 : i32
      %mul3A_44 = arith.muli %add3A_42, %mul3A_43 : i32
      %dma_start3A = arith.constant 0 : i32
      %dma_start3A_45 = tpu.memref_slice %arg2[%mul3A_44, %dma_start3A] : memref<327680x128xf32, #tpu.memory_space<hbm>> -> memref<128x128xf32, #tpu.memory_space<hbm>>
      %dma_start3A_46 = arith.constant 0 : i32
      %dma_start3A_47 = tpu.memref_slice %arg2[%mul3A_44, %dma_start3A_46] : memref<327680x128xf32, #tpu.memory_space<hbm>> -> memref<128x128xf32, #tpu.memory_space<hbm>>
      tpu.enqueue_dma source(%dma_start3A_47 : memref<128x128xf32, #tpu.memory_space<hbm>>) target(%arg9 : memref<128x128xf32, #tpu.memory_space<vmem>>) target_semaphore(%arg11 : memref<!tpu.dma_semaphore, #tpu.memory_space<semaphore_mem>>)
      %dma_wait3A = arith.constant 0 : i32
      %dma_wait3A_48 = tpu.memref_slice %arg2[%mul3A_44, %dma_wait3A] : memref<327680x128xf32, #tpu.memory_space<hbm>> -> memref<128x128xf32, #tpu.memory_space<hbm>>
      %dma_wait3A_49 = arith.constant 0 : i32
      %dma_wait3A_50 = tpu.memref_slice %arg2[%mul3A_44, %dma_wait3A_49] : memref<327680x128xf32, #tpu.memory_space<hbm>> -> memref<128x128xf32, #tpu.memory_space<hbm>>
      tpu.wait_dma2 semaphore(%arg11 : memref<!tpu.dma_semaphore, #tpu.memory_space<semaphore_mem>>) src(%dma_wait3A_50 : memref<128x128xf32, #tpu.memory_space<hbm>>) dst(%arg9 : memref<128x128xf32, #tpu.memory_space<vmem>>)
      %run_scoped3A = arith.constant 0 : i32
      "tpu.region"() ({
        %run_scoped3A_51 = tpu.sem_alloc : memref<!tpu.dma_semaphore, #tpu.memory_space<semaphore_mem>>
        %dma_start3A_52 = arith.constant 0 : i32
        %dma_start3A_53 = tpu.memref_slice %arg8[%add3A_41, %run_scoped3A, %dma_start3A_52] : memref<80x1x128xi32, #tpu.memory_space<vmem>> -> memref<1x1x128xi32, #tpu.memory_space<vmem>>
        %dma_start3A_54 = tpu.memref_squeeze %dma_start3A_53 : memref<1x1x128xi32, #tpu.memory_space<vmem>> -> memref<128xi32, #tpu.memory_space<vmem>>
        %dma_start3A_55 = arith.constant 0 : i32
        %dma_start3A_56 = arith.constant 0 : i32
        %dma_start3A_57 = tpu.memref_slice %arg10[%dma_start3A_55, %dma_start3A_56] : memref<10240x128xf32, #tpu.memory_space<vmem_shared>> -> memref<10240x128xf32, #tpu.memory_space<vmem_shared>>
        tpu.enqueue_indirect_dma source(%arg9 : memref<128x128xf32, #tpu.memory_space<vmem>>) target(%dma_start3A_57 : memref<10240x128xf32, #tpu.memory_space<vmem_shared>>) offsets(%dma_start3A_54 : memref<128xi32, #tpu.memory_space<vmem>>) semaphore(%run_scoped3A_51 : memref<!tpu.dma_semaphore, #tpu.memory_space<semaphore_mem>>) {add = true}
        %dma_wait3A_58 = arith.constant 0 : i32
        %dma_wait3A_59 = tpu.memref_slice %arg8[%add3A_41, %run_scoped3A, %dma_wait3A_58] : memref<80x1x128xi32, #tpu.memory_space<vmem>> -> memref<1x1x128xi32, #tpu.memory_space<vmem>>
        %dma_wait3A_60 = tpu.memref_squeeze %dma_wait3A_59 : memref<1x1x128xi32, #tpu.memory_space<vmem>> -> memref<128xi32, #tpu.memory_space<vmem>>
        %dma_wait3A_61 = arith.constant 0 : i32
        %dma_wait3A_62 = arith.constant 0 : i32
        %dma_wait3A_63 = tpu.memref_slice %arg10[%dma_wait3A_61, %dma_wait3A_62] : memref<10240x128xf32, #tpu.memory_space<vmem_shared>> -> memref<10240x128xf32, #tpu.memory_space<vmem_shared>>
        tpu.wait_indirect_dma semaphore(%run_scoped3A_51 : memref<!tpu.dma_semaphore, #tpu.memory_space<semaphore_mem>>) src(%arg9 : memref<128x128xf32, #tpu.memory_space<vmem>>) dst(%dma_wait3A_63 : memref<10240x128xf32, #tpu.memory_space<vmem_shared>>)
        tpu.yield
      }) : () -> ()
    }
    %scan3A_13 = arith.constant 80 : i32
    %barrier3A_14 = arith.constant 0 : index
    tpu.barrier barrier_id(%barrier3A_14)
    %scan3A_15 = arith.constant 0 : i32
    %scan3A_16 = arith.constant 40 : i32
    %scan3A_17 = arith.addi %scan3A_15, %scan3A_16 : i32
    %scan3A_18 = arith.constant 1 : i32
    scf.for %scan3A_37 = %scan3A_15 to %scan3A_17 step %scan3A_18  : i32 {
      %mul3A_38 = arith.constant 1 : i32
      %mul3A_39 = arith.muli %scan3A_37, %mul3A_38 : i32
      %add3A_40 = arith.constant 0 : i32
      %add3A_41 = arith.addi %add3A_40, %mul3A_39 : i32
      %mul3A_42 = arith.constant 16 : i32
      %mul3A_43 = arith.muli %add3A_41, %mul3A_42 : i32
      %add3A_44 = arith.addi %mul3A_2, %mul3A_43 : i32
      %add3A_45 = vector.broadcast %add3A_44 : i32 to vector<16xi32>
      %add3A_46 = arith.addi %add3A_45, %iota3A : vector<16xi32>
      "tpu.region"() ({
        %run_scoped3A = tpu.sem_alloc : memref<!tpu.dma_semaphore, #tpu.memory_space<semaphore_mem>>
        %dma_start3A = arith.constant 0 : i32
        %dma_start3A_50 = arith.constant 0 : i32
        %dma_start3A_51 = tpu.memref_slice %arg9[%dma_start3A, %dma_start3A_50] : memref<128x128xf32, #tpu.memory_space<vmem>> -> memref<16x128xf32, #tpu.memory_space<vmem>>
        %dma_start3A_52 = arith.constant 0 : i32
        %dma_start3A_53 = arith.constant 0 : i32
        %dma_start3A_54 = tpu.memref_slice %arg10[%dma_start3A_52, %dma_start3A_53] : memref<10240x128xf32, #tpu.memory_space<vmem_shared>> -> memref<10240x128xf32, #tpu.memory_space<vmem_shared>>
        tpu.enqueue_indirect_dma source(%dma_start3A_54 : memref<10240x128xf32, #tpu.memory_space<vmem_shared>>) target(%dma_start3A_51 : memref<16x128xf32, #tpu.memory_space<vmem>>) offsets(%add3A_46 : vector<16xi32>) semaphore(%run_scoped3A : memref<!tpu.dma_semaphore, #tpu.memory_space<semaphore_mem>>)
        %dma_wait3A = arith.constant 0 : i32
        %dma_wait3A_55 = arith.constant 0 : i32
        %dma_wait3A_56 = tpu.memref_slice %arg9[%dma_wait3A, %dma_wait3A_55] : memref<128x128xf32, #tpu.memory_space<vmem>> -> memref<16x128xf32, #tpu.memory_space<vmem>>
        %dma_wait3A_57 = arith.constant 0 : i32
        %dma_wait3A_58 = arith.constant 0 : i32
        %dma_wait3A_59 = tpu.memref_slice %arg10[%dma_wait3A_57, %dma_wait3A_58] : memref<10240x128xf32, #tpu.memory_space<vmem_shared>> -> memref<10240x128xf32, #tpu.memory_space<vmem_shared>>
        tpu.wait_indirect_dma semaphore(%run_scoped3A : memref<!tpu.dma_semaphore, #tpu.memory_space<semaphore_mem>>) src(%dma_wait3A_59 : memref<10240x128xf32, #tpu.memory_space<vmem_shared>>) dst(%dma_wait3A_56 : memref<16x128xf32, #tpu.memory_space<vmem>>)
        tpu.yield
      }) : () -> ()
      %mul3A_47 = arith.constant 10240 : i32
      %mul3A_48 = arith.muli %arg0, %mul3A_47 : i32
      %add3A_49 = arith.addi %mul3A_48, %add3A_44 : i32
      "tpu.region"() ({
        %run_scoped3A = tpu.sem_alloc : memref<!tpu.dma_semaphore, #tpu.memory_space<semaphore_mem>>
        %dma_start3A = arith.constant 0 : i32
        %dma_start3A_50 = arith.constant 0 : i32
        %dma_start3A_51 = tpu.memref_slice %arg9[%dma_start3A, %dma_start3A_50] : memref<128x128xf32, #tpu.memory_space<vmem>> -> memref<16x128xf32, #tpu.memory_space<vmem>>
        %dma_start3A_52 = arith.constant 0 : i32
        %dma_start3A_53 = tpu.memref_slice %arg6[%add3A_49, %dma_start3A_52] : memref<20480x128xf32, #tpu.memory_space<hbm>> -> memref<16x128xf32, #tpu.memory_space<hbm>>
        %dma_start3A_54 = arith.constant 0 : i32
        %dma_start3A_55 = tpu.memref_slice %arg6[%add3A_49, %dma_start3A_54] : memref<20480x128xf32, #tpu.memory_space<hbm>> -> memref<16x128xf32, #tpu.memory_space<hbm>>
        %dma_start3A_56 = arith.constant 0 : i32
        %dma_start3A_57 = arith.constant 0 : i32
        %dma_start3A_58 = tpu.memref_slice %arg9[%dma_start3A_56, %dma_start3A_57] : memref<128x128xf32, #tpu.memory_space<vmem>> -> memref<16x128xf32, #tpu.memory_space<vmem>>
        tpu.enqueue_dma source(%dma_start3A_58 : memref<16x128xf32, #tpu.memory_space<vmem>>) target(%dma_start3A_55 : memref<16x128xf32, #tpu.memory_space<hbm>>) target_semaphore(%run_scoped3A : memref<!tpu.dma_semaphore, #tpu.memory_space<semaphore_mem>>)
        %dma_wait3A = arith.constant 0 : i32
        %dma_wait3A_59 = arith.constant 0 : i32
        %dma_wait3A_60 = tpu.memref_slice %arg9[%dma_wait3A, %dma_wait3A_59] : memref<128x128xf32, #tpu.memory_space<vmem>> -> memref<16x128xf32, #tpu.memory_space<vmem>>
        %dma_wait3A_61 = arith.constant 0 : i32
        %dma_wait3A_62 = tpu.memref_slice %arg6[%add3A_49, %dma_wait3A_61] : memref<20480x128xf32, #tpu.memory_space<hbm>> -> memref<16x128xf32, #tpu.memory_space<hbm>>
        %dma_wait3A_63 = arith.constant 0 : i32
        %dma_wait3A_64 = tpu.memref_slice %arg6[%add3A_49, %dma_wait3A_63] : memref<20480x128xf32, #tpu.memory_space<hbm>> -> memref<16x128xf32, #tpu.memory_space<hbm>>
        %dma_wait3A_65 = arith.constant 0 : i32
        %dma_wait3A_66 = arith.constant 0 : i32
        %dma_wait3A_67 = tpu.memref_slice %arg9[%dma_wait3A_65, %dma_wait3A_66] : memref<128x128xf32, #tpu.memory_space<vmem>> -> memref<16x128xf32, #tpu.memory_space<vmem>>
        tpu.wait_dma2 semaphore(%run_scoped3A : memref<!tpu.dma_semaphore, #tpu.memory_space<semaphore_mem>>) src(%dma_wait3A_67 : memref<16x128xf32, #tpu.memory_space<vmem>>) dst(%dma_wait3A_64 : memref<16x128xf32, #tpu.memory_space<hbm>>)
        tpu.yield
      }) : () -> ()
    }
    %scan3A_19 = arith.constant 40 : i32
    "tpu.region"() ({
      %run_scoped3A = tpu.sem_alloc : memref<!tpu.dma_semaphore, #tpu.memory_space<semaphore_mem>>
      %dma_start3A = arith.constant 0 : i32
      %dma_start3A_37 = arith.constant 0 : i32
      %dma_start3A_38 = tpu.memref_slice %arg9[%dma_start3A, %dma_start3A_37] : memref<128x128xf32, #tpu.memory_space<vmem>> -> memref<64x128xf32, #tpu.memory_space<vmem>>
      %dma_start3A_39 = arith.constant 0 : i32
      %dma_start3A_40 = arith.constant 0 : i32
      %dma_start3A_41 = tpu.memref_slice %arg9[%dma_start3A_39, %dma_start3A_40] : memref<128x128xf32, #tpu.memory_space<vmem>> -> memref<64x128xf32, #tpu.memory_space<vmem>>
      tpu.enqueue_dma source(%arg5 : memref<64x128xf32, #tpu.memory_space<hbm>>) target(%dma_start3A_41 : memref<64x128xf32, #tpu.memory_space<vmem>>) target_semaphore(%run_scoped3A : memref<!tpu.dma_semaphore, #tpu.memory_space<semaphore_mem>>)
      %dma_wait3A = arith.constant 0 : i32
      %dma_wait3A_42 = arith.constant 0 : i32
      %dma_wait3A_43 = tpu.memref_slice %arg9[%dma_wait3A, %dma_wait3A_42] : memref<128x128xf32, #tpu.memory_space<vmem>> -> memref<64x128xf32, #tpu.memory_space<vmem>>
      %dma_wait3A_44 = arith.constant 0 : i32
      %dma_wait3A_45 = arith.constant 0 : i32
      %dma_wait3A_46 = tpu.memref_slice %arg9[%dma_wait3A_44, %dma_wait3A_45] : memref<128x128xf32, #tpu.memory_space<vmem>> -> memref<64x128xf32, #tpu.memory_space<vmem>>
      tpu.wait_dma2 semaphore(%run_scoped3A : memref<!tpu.dma_semaphore, #tpu.memory_space<semaphore_mem>>) src(%arg5 : memref<64x128xf32, #tpu.memory_space<hbm>>) dst(%dma_wait3A_46 : memref<64x128xf32, #tpu.memory_space<vmem>>)
      tpu.yield
    }) : () -> ()
    %scan3A_20 = arith.constant 0 : i32
    %scan3A_21 = arith.constant 40 : i32
    %scan3A_22 = arith.addi %scan3A_20, %scan3A_21 : i32
    %scan3A_23 = arith.constant 1 : i32
    scf.for %scan3A_37 = %scan3A_20 to %scan3A_22 step %scan3A_23  : i32 {
      %mul3A_38 = arith.constant 1 : i32
      %mul3A_39 = arith.muli %scan3A_37, %mul3A_38 : i32
      %add3A_40 = arith.constant 0 : i32
      %add3A_41 = arith.addi %add3A_40, %mul3A_39 : i32
      %mul3A_42 = arith.constant 16 : i32
      %mul3A_43 = arith.muli %add3A_41, %mul3A_42 : i32
      %add3A_44 = arith.addi %mul3A_2, %mul3A_43 : i32
      %add3A_45 = vector.broadcast %add3A_44 : i32 to vector<16xi32>
      %add3A_46 = arith.addi %add3A_45, %iota3A : vector<16xi32>
      "tpu.region"() ({
        %run_scoped3A = tpu.sem_alloc : memref<!tpu.dma_semaphore, #tpu.memory_space<semaphore_mem>>
        %dma_start3A = arith.constant 0 : i32
        %dma_start3A_47 = arith.constant 0 : i32
        %dma_start3A_48 = tpu.memref_slice %arg9[%dma_start3A, %dma_start3A_47] : memref<128x128xf32, #tpu.memory_space<vmem>> -> memref<16x128xf32, #tpu.memory_space<vmem>>
        %dma_start3A_49 = arith.constant 0 : i32
        %dma_start3A_50 = arith.constant 0 : i32
        %dma_start3A_51 = tpu.memref_slice %arg10[%dma_start3A_49, %dma_start3A_50] : memref<10240x128xf32, #tpu.memory_space<vmem_shared>> -> memref<10240x128xf32, #tpu.memory_space<vmem_shared>>
        tpu.enqueue_indirect_dma source(%dma_start3A_48 : memref<16x128xf32, #tpu.memory_space<vmem>>) target(%dma_start3A_51 : memref<10240x128xf32, #tpu.memory_space<vmem_shared>>) offsets(%add3A_46 : vector<16xi32>) semaphore(%run_scoped3A : memref<!tpu.dma_semaphore, #tpu.memory_space<semaphore_mem>>)
        %dma_wait3A = arith.constant 0 : i32
        %dma_wait3A_52 = arith.constant 0 : i32
        %dma_wait3A_53 = tpu.memref_slice %arg9[%dma_wait3A, %dma_wait3A_52] : memref<128x128xf32, #tpu.memory_space<vmem>> -> memref<16x128xf32, #tpu.memory_space<vmem>>
        %dma_wait3A_54 = arith.constant 0 : i32
        %dma_wait3A_55 = arith.constant 0 : i32
        %dma_wait3A_56 = tpu.memref_slice %arg10[%dma_wait3A_54, %dma_wait3A_55] : memref<10240x128xf32, #tpu.memory_space<vmem_shared>> -> memref<10240x128xf32, #tpu.memory_space<vmem_shared>>
        tpu.wait_indirect_dma semaphore(%run_scoped3A : memref<!tpu.dma_semaphore, #tpu.memory_space<semaphore_mem>>) src(%dma_wait3A_53 : memref<16x128xf32, #tpu.memory_space<vmem>>) dst(%dma_wait3A_56 : memref<10240x128xf32, #tpu.memory_space<vmem_shared>>)
        tpu.yield
      }) : () -> ()
    }
    %scan3A_24 = arith.constant 40 : i32
    %barrier3A_25 = arith.constant 0 : index
    tpu.barrier barrier_id(%barrier3A_25)
    %scan3A_26 = arith.constant 0 : i32
    %scan3A_27 = arith.constant 80 : i32
    %scan3A_28 = arith.addi %scan3A_26, %scan3A_27 : i32
    %scan3A_29 = arith.constant 1 : i32
    scf.for %scan3A_37 = %scan3A_26 to %scan3A_28 step %scan3A_29  : i32 {
      %mul3A_38 = arith.constant 1 : i32
      %mul3A_39 = arith.muli %scan3A_37, %mul3A_38 : i32
      %add3A_40 = arith.constant 0 : i32
      %add3A_41 = arith.addi %add3A_40, %mul3A_39 : i32
      %add3A_42 = arith.addi %mul3A_4, %add3A_41 : i32
      %mul3A_43 = arith.constant 128 : i32
      %mul3A_44 = arith.muli %add3A_42, %mul3A_43 : i32
      %dma_start3A = arith.constant 0 : i32
      %dma_start3A_45 = tpu.memref_slice %arg3[%mul3A_44, %dma_start3A] : memref<327680x128xf32, #tpu.memory_space<hbm>> -> memref<128x128xf32, #tpu.memory_space<hbm>>
      %dma_start3A_46 = arith.constant 0 : i32
      %dma_start3A_47 = tpu.memref_slice %arg3[%mul3A_44, %dma_start3A_46] : memref<327680x128xf32, #tpu.memory_space<hbm>> -> memref<128x128xf32, #tpu.memory_space<hbm>>
      tpu.enqueue_dma source(%dma_start3A_47 : memref<128x128xf32, #tpu.memory_space<hbm>>) target(%arg9 : memref<128x128xf32, #tpu.memory_space<vmem>>) target_semaphore(%arg11 : memref<!tpu.dma_semaphore, #tpu.memory_space<semaphore_mem>>)
      %dma_wait3A = arith.constant 0 : i32
      %dma_wait3A_48 = tpu.memref_slice %arg3[%mul3A_44, %dma_wait3A] : memref<327680x128xf32, #tpu.memory_space<hbm>> -> memref<128x128xf32, #tpu.memory_space<hbm>>
      %dma_wait3A_49 = arith.constant 0 : i32
      %dma_wait3A_50 = tpu.memref_slice %arg3[%mul3A_44, %dma_wait3A_49] : memref<327680x128xf32, #tpu.memory_space<hbm>> -> memref<128x128xf32, #tpu.memory_space<hbm>>
      tpu.wait_dma2 semaphore(%arg11 : memref<!tpu.dma_semaphore, #tpu.memory_space<semaphore_mem>>) src(%dma_wait3A_50 : memref<128x128xf32, #tpu.memory_space<hbm>>) dst(%arg9 : memref<128x128xf32, #tpu.memory_space<vmem>>)
      %run_scoped3A = arith.constant 0 : i32
      "tpu.region"() ({
        %run_scoped3A_51 = tpu.sem_alloc : memref<!tpu.dma_semaphore, #tpu.memory_space<semaphore_mem>>
        %dma_start3A_52 = arith.constant 0 : i32
        %dma_start3A_53 = tpu.memref_slice %arg8[%add3A_41, %run_scoped3A, %dma_start3A_52] : memref<80x1x128xi32, #tpu.memory_space<vmem>> -> memref<1x1x128xi32, #tpu.memory_space<vmem>>
        %dma_start3A_54 = tpu.memref_squeeze %dma_start3A_53 : memref<1x1x128xi32, #tpu.memory_space<vmem>> -> memref<128xi32, #tpu.memory_space<vmem>>
        %dma_start3A_55 = arith.constant 0 : i32
        %dma_start3A_56 = arith.constant 0 : i32
        %dma_start3A_57 = tpu.memref_slice %arg10[%dma_start3A_55, %dma_start3A_56] : memref<10240x128xf32, #tpu.memory_space<vmem_shared>> -> memref<10240x128xf32, #tpu.memory_space<vmem_shared>>
        tpu.enqueue_indirect_dma source(%arg9 : memref<128x128xf32, #tpu.memory_space<vmem>>) target(%dma_start3A_57 : memref<10240x128xf32, #tpu.memory_space<vmem_shared>>) offsets(%dma_start3A_54 : memref<128xi32, #tpu.memory_space<vmem>>) semaphore(%run_scoped3A_51 : memref<!tpu.dma_semaphore, #tpu.memory_space<semaphore_mem>>) {add = true}
        %dma_wait3A_58 = arith.constant 0 : i32
        %dma_wait3A_59 = tpu.memref_slice %arg8[%add3A_41, %run_scoped3A, %dma_wait3A_58] : memref<80x1x128xi32, #tpu.memory_space<vmem>> -> memref<1x1x128xi32, #tpu.memory_space<vmem>>
        %dma_wait3A_60 = tpu.memref_squeeze %dma_wait3A_59 : memref<1x1x128xi32, #tpu.memory_space<vmem>> -> memref<128xi32, #tpu.memory_space<vmem>>
        %dma_wait3A_61 = arith.constant 0 : i32
        %dma_wait3A_62 = arith.constant 0 : i32
        %dma_wait3A_63 = tpu.memref_slice %arg10[%dma_wait3A_61, %dma_wait3A_62] : memref<10240x128xf32, #tpu.memory_space<vmem_shared>> -> memref<10240x128xf32, #tpu.memory_space<vmem_shared>>
        tpu.wait_indirect_dma semaphore(%run_scoped3A_51 : memref<!tpu.dma_semaphore, #tpu.memory_space<semaphore_mem>>) src(%arg9 : memref<128x128xf32, #tpu.memory_space<vmem>>) dst(%dma_wait3A_63 : memref<10240x128xf32, #tpu.memory_space<vmem_shared>>)
        tpu.yield
      }) : () -> ()
    }
    %scan3A_30 = arith.constant 80 : i32
    %barrier3A_31 = arith.constant 0 : index
    tpu.barrier barrier_id(%barrier3A_31)
    %scan3A_32 = arith.constant 0 : i32
    %scan3A_33 = arith.constant 40 : i32
    %scan3A_34 = arith.addi %scan3A_32, %scan3A_33 : i32
    %scan3A_35 = arith.constant 1 : i32
    scf.for %scan3A_37 = %scan3A_32 to %scan3A_34 step %scan3A_35  : i32 {
      %mul3A_38 = arith.constant 1 : i32
      %mul3A_39 = arith.muli %scan3A_37, %mul3A_38 : i32
      %add3A_40 = arith.constant 0 : i32
      %add3A_41 = arith.addi %add3A_40, %mul3A_39 : i32
      %mul3A_42 = arith.constant 16 : i32
      %mul3A_43 = arith.muli %add3A_41, %mul3A_42 : i32
      %add3A_44 = arith.addi %mul3A_2, %mul3A_43 : i32
      %add3A_45 = vector.broadcast %add3A_44 : i32 to vector<16xi32>
      %add3A_46 = arith.addi %add3A_45, %iota3A : vector<16xi32>
      "tpu.region"() ({
        %run_scoped3A = tpu.sem_alloc : memref<!tpu.dma_semaphore, #tpu.memory_space<semaphore_mem>>
        %dma_start3A = arith.constant 0 : i32
        %dma_start3A_50 = arith.constant 0 : i32
        %dma_start3A_51 = tpu.memref_slice %arg9[%dma_start3A, %dma_start3A_50] : memref<128x128xf32, #tpu.memory_space<vmem>> -> memref<16x128xf32, #tpu.memory_space<vmem>>
        %dma_start3A_52 = arith.constant 0 : i32
        %dma_start3A_53 = arith.constant 0 : i32
        %dma_start3A_54 = tpu.memref_slice %arg10[%dma_start3A_52, %dma_start3A_53] : memref<10240x128xf32, #tpu.memory_space<vmem_shared>> -> memref<10240x128xf32, #tpu.memory_space<vmem_shared>>
        tpu.enqueue_indirect_dma source(%dma_start3A_54 : memref<10240x128xf32, #tpu.memory_space<vmem_shared>>) target(%dma_start3A_51 : memref<16x128xf32, #tpu.memory_space<vmem>>) offsets(%add3A_46 : vector<16xi32>) semaphore(%run_scoped3A : memref<!tpu.dma_semaphore, #tpu.memory_space<semaphore_mem>>)
        %dma_wait3A = arith.constant 0 : i32
        %dma_wait3A_55 = arith.constant 0 : i32
        %dma_wait3A_56 = tpu.memref_slice %arg9[%dma_wait3A, %dma_wait3A_55] : memref<128x128xf32, #tpu.memory_space<vmem>> -> memref<16x128xf32, #tpu.memory_space<vmem>>
        %dma_wait3A_57 = arith.constant 0 : i32
        %dma_wait3A_58 = arith.constant 0 : i32
        %dma_wait3A_59 = tpu.memref_slice %arg10[%dma_wait3A_57, %dma_wait3A_58] : memref<10240x128xf32, #tpu.memory_space<vmem_shared>> -> memref<10240x128xf32, #tpu.memory_space<vmem_shared>>
        tpu.wait_indirect_dma semaphore(%run_scoped3A : memref<!tpu.dma_semaphore, #tpu.memory_space<semaphore_mem>>) src(%dma_wait3A_59 : memref<10240x128xf32, #tpu.memory_space<vmem_shared>>) dst(%dma_wait3A_56 : memref<16x128xf32, #tpu.memory_space<vmem>>)
        tpu.yield
      }) : () -> ()
      %mul3A_47 = arith.constant 10240 : i32
      %mul3A_48 = arith.muli %arg0, %mul3A_47 : i32
      %add3A_49 = arith.addi %mul3A_48, %add3A_44 : i32
      "tpu.region"() ({
        %run_scoped3A = tpu.sem_alloc : memref<!tpu.dma_semaphore, #tpu.memory_space<semaphore_mem>>
        %dma_start3A = arith.constant 0 : i32
        %dma_start3A_50 = arith.constant 0 : i32
        %dma_start3A_51 = tpu.memref_slice %arg9[%dma_start3A, %dma_start3A_50] : memref<128x128xf32, #tpu.memory_space<vmem>> -> memref<16x128xf32, #tpu.memory_space<vmem>>
        %dma_start3A_52 = arith.constant 0 : i32
        %dma_start3A_53 = tpu.memref_slice %arg7[%add3A_49, %dma_start3A_52] : memref<20480x128xf32, #tpu.memory_space<hbm>> -> memref<16x128xf32, #tpu.memory_space<hbm>>
        %dma_start3A_54 = arith.constant 0 : i32
        %dma_start3A_55 = tpu.memref_slice %arg7[%add3A_49, %dma_start3A_54] : memref<20480x128xf32, #tpu.memory_space<hbm>> -> memref<16x128xf32, #tpu.memory_space<hbm>>
        %dma_start3A_56 = arith.constant 0 : i32
        %dma_start3A_57 = arith.constant 0 : i32
        %dma_start3A_58 = tpu.memref_slice %arg9[%dma_start3A_56, %dma_start3A_57] : memref<128x128xf32, #tpu.memory_space<vmem>> -> memref<16x128xf32, #tpu.memory_space<vmem>>
        tpu.enqueue_dma source(%dma_start3A_58 : memref<16x128xf32, #tpu.memory_space<vmem>>) target(%dma_start3A_55 : memref<16x128xf32, #tpu.memory_space<hbm>>) target_semaphore(%run_scoped3A : memref<!tpu.dma_semaphore, #tpu.memory_space<semaphore_mem>>)
        %dma_wait3A = arith.constant 0 : i32
        %dma_wait3A_59 = arith.constant 0 : i32
        %dma_wait3A_60 = tpu.memref_slice %arg9[%dma_wait3A, %dma_wait3A_59] : memref<128x128xf32, #tpu.memory_space<vmem>> -> memref<16x128xf32, #tpu.memory_space<vmem>>
        %dma_wait3A_61 = arith.constant 0 : i32
        %dma_wait3A_62 = tpu.memref_slice %arg7[%add3A_49, %dma_wait3A_61] : memref<20480x128xf32, #tpu.memory_space<hbm>> -> memref<16x128xf32, #tpu.memory_space<hbm>>
        %dma_wait3A_63 = arith.constant 0 : i32
        %dma_wait3A_64 = tpu.memref_slice %arg7[%add3A_49, %dma_wait3A_63] : memref<20480x128xf32, #tpu.memory_space<hbm>> -> memref<16x128xf32, #tpu.memory_space<hbm>>
        %dma_wait3A_65 = arith.constant 0 : i32
        %dma_wait3A_66 = arith.constant 0 : i32
        %dma_wait3A_67 = tpu.memref_slice %arg9[%dma_wait3A_65, %dma_wait3A_66] : memref<128x128xf32, #tpu.memory_space<vmem>> -> memref<16x128xf32, #tpu.memory_space<vmem>>
        tpu.wait_dma2 semaphore(%run_scoped3A : memref<!tpu.dma_semaphore, #tpu.memory_space<semaphore_mem>>) src(%dma_wait3A_67 : memref<16x128xf32, #tpu.memory_space<vmem>>) dst(%dma_wait3A_64 : memref<16x128xf32, #tpu.memory_space<hbm>>)
        tpu.yield
      }) : () -> ()
    }
    %scan3A_36 = arith.constant 40 : i32
    return
  }
}

module attributes {stable_mosaic.version = 14 : i64} {
  func.func @_qkv_body(%arg0: i32, %arg1: memref<1024x128xf32, #tpu.memory_space<vmem>>, %arg2: memref<128x128xf32, #tpu.memory_space<vmem>>, %arg3: memref<1x128xf32, #tpu.memory_space<vmem>>, %arg4: memref<128x128xf32, #tpu.memory_space<vmem>>, %arg5: memref<1x128xf32, #tpu.memory_space<vmem>>, %arg6: memref<128x128xf32, #tpu.memory_space<vmem>>, %arg7: memref<1x128xf32, #tpu.memory_space<vmem>>, %arg8: memref<1024x128xf32, #tpu.memory_space<vmem>>, %arg9: memref<1024x128xf32, #tpu.memory_space<vmem>>, %arg10: memref<1024x128xf32, #tpu.memory_space<vmem>>) attributes {dimension_semantics = [#tpu.dimension_semantics<arbitrary>], iteration_bounds = array<i64: 10>, scalar_prefetch = 0 : i64, scratch_operands = 0 : i64, tpu.core_type = #tpu.core_type<tc>, window_params = [{transform_indices = @transform_0, window_bounds = array<i64: 1024, 128>}, {pipeline_mode = #tpu.pipeline_mode<synchronous>, transform_indices = @transform_1, window_bounds = array<i64: 128, 128>}, {pipeline_mode = #tpu.pipeline_mode<synchronous>, transform_indices = @transform_2, window_bounds = array<i64: 1, 128>}, {pipeline_mode = #tpu.pipeline_mode<synchronous>, transform_indices = @transform_3, window_bounds = array<i64: 128, 128>}, {pipeline_mode = #tpu.pipeline_mode<synchronous>, transform_indices = @transform_4, window_bounds = array<i64: 1, 128>}, {pipeline_mode = #tpu.pipeline_mode<synchronous>, transform_indices = @transform_5, window_bounds = array<i64: 128, 128>}, {pipeline_mode = #tpu.pipeline_mode<synchronous>, transform_indices = @transform_6, window_bounds = array<i64: 1, 128>}, {transform_indices = @transform_7, window_bounds = array<i64: 1024, 128>}, {transform_indices = @transform_8, window_bounds = array<i64: 1024, 128>}, {transform_indices = @transform_9, window_bounds = array<i64: 1024, 128>}]} {
    %get3A = arith.constant 0 : index
    %get3A_0 = arith.constant 0 : index
    %get3A_1 = vector.load %arg1[%get3A, %get3A_0] : memref<1024x128xf32, #tpu.memory_space<vmem>>, vector<1024x128xf32>
    %get3A_2 = arith.constant 0 : index
    %get3A_3 = arith.constant 0 : index
    %get3A_4 = vector.load %arg2[%get3A_2, %get3A_3] : memref<128x128xf32, #tpu.memory_space<vmem>>, vector<128x128xf32>
    %dot_general3A = arith.constant dense<0.000000e+00> : vector<1024x128xf32>
    %dot_general3A_5 = tpu.matmul %get3A_1, %get3A_4, %dot_general3A {dimension_numbers = #tpu.dot_dimension_numbers<[1], [0], [0], [1], [0, 0, 1, 1], [], []>, precision = #tpu.contract_precision<fp32>, transpose_lhs_hint = false} : vector<1024x128xf32>, vector<128x128xf32>, vector<1024x128xf32> -> vector<1024x128xf32>
    %get3A_6 = arith.constant 0 : index
    %get3A_7 = arith.constant 0 : index
    %get3A_8 = vector.load %arg3[%get3A_6, %get3A_7] : memref<1x128xf32, #tpu.memory_space<vmem>>, vector<1x128xf32>
    %add3A = vector.broadcast %get3A_8 : vector<1x128xf32> to vector<1024x128xf32>
    %add3A_9 = arith.addf %dot_general3A_5, %add3A : vector<1024x128xf32>
    %swap3A = arith.constant 0 : index
    %swap3A_10 = arith.constant 0 : index
    %swap3A_11 = vector.load %arg8[%swap3A, %swap3A_10] : memref<1024x128xf32, #tpu.memory_space<vmem>>, vector<1024x128xf32>
    tpu.vector_store %arg8[%swap3A, %swap3A_10], %add3A_9 {strides = array<i32>} : memref<1024x128xf32, #tpu.memory_space<vmem>>, vector<1024x128xf32>,
    %get3A_12 = arith.constant 0 : index
    %get3A_13 = arith.constant 0 : index
    %get3A_14 = vector.load %arg4[%get3A_12, %get3A_13] : memref<128x128xf32, #tpu.memory_space<vmem>>, vector<128x128xf32>
    %dot_general3A_15 = arith.constant dense<0.000000e+00> : vector<1024x128xf32>
    %dot_general3A_16 = tpu.matmul %get3A_1, %get3A_14, %dot_general3A_15 {dimension_numbers = #tpu.dot_dimension_numbers<[1], [0], [0], [1], [0, 0, 1, 1], [], []>, precision = #tpu.contract_precision<fp32>, transpose_lhs_hint = false} : vector<1024x128xf32>, vector<128x128xf32>, vector<1024x128xf32> -> vector<1024x128xf32>
    %get3A_17 = arith.constant 0 : index
    %get3A_18 = arith.constant 0 : index
    %get3A_19 = vector.load %arg5[%get3A_17, %get3A_18] : memref<1x128xf32, #tpu.memory_space<vmem>>, vector<1x128xf32>
    %add3A_20 = vector.broadcast %get3A_19 : vector<1x128xf32> to vector<1024x128xf32>
    %add3A_21 = arith.addf %dot_general3A_16, %add3A_20 : vector<1024x128xf32>
    %swap3A_22 = arith.constant 0 : index
    %swap3A_23 = arith.constant 0 : index
    %swap3A_24 = vector.load %arg9[%swap3A_22, %swap3A_23] : memref<1024x128xf32, #tpu.memory_space<vmem>>, vector<1024x128xf32>
    tpu.vector_store %arg9[%swap3A_22, %swap3A_23], %add3A_21 {strides = array<i32>} : memref<1024x128xf32, #tpu.memory_space<vmem>>, vector<1024x128xf32>,
    %get3A_25 = arith.constant 0 : index
    %get3A_26 = arith.constant 0 : index
    %get3A_27 = vector.load %arg6[%get3A_25, %get3A_26] : memref<128x128xf32, #tpu.memory_space<vmem>>, vector<128x128xf32>
    %dot_general3A_28 = arith.constant dense<0.000000e+00> : vector<1024x128xf32>
    %dot_general3A_29 = tpu.matmul %get3A_1, %get3A_27, %dot_general3A_28 {dimension_numbers = #tpu.dot_dimension_numbers<[1], [0], [0], [1], [0, 0, 1, 1], [], []>, precision = #tpu.contract_precision<fp32>, transpose_lhs_hint = false} : vector<1024x128xf32>, vector<128x128xf32>, vector<1024x128xf32> -> vector<1024x128xf32>
    %get3A_30 = arith.constant 0 : index
    %get3A_31 = arith.constant 0 : index
    %get3A_32 = vector.load %arg7[%get3A_30, %get3A_31] : memref<1x128xf32, #tpu.memory_space<vmem>>, vector<1x128xf32>
    %add3A_33 = vector.broadcast %get3A_32 : vector<1x128xf32> to vector<1024x128xf32>
    %add3A_34 = arith.addf %dot_general3A_29, %add3A_33 : vector<1024x128xf32>
    %swap3A_35 = arith.constant 0 : index
    %swap3A_36 = arith.constant 0 : index
    %swap3A_37 = vector.load %arg10[%swap3A_35, %swap3A_36] : memref<1024x128xf32, #tpu.memory_space<vmem>>, vector<1024x128xf32>
    tpu.vector_store %arg10[%swap3A_35, %swap3A_36], %add3A_34 {strides = array<i32>} : memref<1024x128xf32, #tpu.memory_space<vmem>>, vector<1024x128xf32>,
    return
  }
  func.func @transform_0(%arg0: i32) -> (i32, i32) {
    %c0_i32 = arith.constant 0 : i32
    %c0_i32_0 = arith.constant 0 : i32
    return %arg0, %c0_i32 : i32, i32
  }
  func.func @transform_1(%arg0: i32) -> (i32, i32) {
    %c0_i32 = arith.constant 0 : i32
    %c0_i32_0 = arith.constant 0 : i32
    %c0_i32_1 = arith.constant 0 : i32
    return %c0_i32, %c0_i32_0 : i32, i32
  }
  func.func @transform_2(%arg0: i32) -> (i32, i32) {
    %c0_i32 = arith.constant 0 : i32
    %c0_i32_0 = arith.constant 0 : i32
    %c0_i32_1 = arith.constant 0 : i32
    return %c0_i32, %c0_i32_0 : i32, i32
  }
  func.func @transform_3(%arg0: i32) -> (i32, i32) {
    %c0_i32 = arith.constant 0 : i32
    %c0_i32_0 = arith.constant 0 : i32
    %c0_i32_1 = arith.constant 0 : i32
    return %c0_i32, %c0_i32_0 : i32, i32
  }
  func.func @transform_4(%arg0: i32) -> (i32, i32) {
    %c0_i32 = arith.constant 0 : i32
    %c0_i32_0 = arith.constant 0 : i32
    %c0_i32_1 = arith.constant 0 : i32
    return %c0_i32, %c0_i32_0 : i32, i32
  }
  func.func @transform_5(%arg0: i32) -> (i32, i32) {
    %c0_i32 = arith.constant 0 : i32
    %c0_i32_0 = arith.constant 0 : i32
    %c0_i32_1 = arith.constant 0 : i32
    return %c0_i32, %c0_i32_0 : i32, i32
  }
  func.func @transform_6(%arg0: i32) -> (i32, i32) {
    %c0_i32 = arith.constant 0 : i32
    %c0_i32_0 = arith.constant 0 : i32
    %c0_i32_1 = arith.constant 0 : i32
    return %c0_i32, %c0_i32_0 : i32, i32
  }
  func.func @transform_7(%arg0: i32) -> (i32, i32) {
    %c0_i32 = arith.constant 0 : i32
    %c0_i32_0 = arith.constant 0 : i32
    return %arg0, %c0_i32 : i32, i32
  }
  func.func @transform_8(%arg0: i32) -> (i32, i32) {
    %c0_i32 = arith.constant 0 : i32
    %c0_i32_0 = arith.constant 0 : i32
    return %arg0, %c0_i32 : i32, i32
  }
  func.func @transform_9(%arg0: i32) -> (i32, i32) {
    %c0_i32 = arith.constant 0 : i32
    %c0_i32_0 = arith.constant 0 : i32
    return %arg0, %c0_i32 : i32, i32
  }
}

module attributes {stable_mosaic.version = 14 : i64} {
  func.func @_edge_math_body(%arg0: i32, %arg1: memref<1024x128xf32, #tpu.memory_space<vmem>>, %arg2: memref<1024x128xf32, #tpu.memory_space<vmem>>, %arg3: memref<1024x128xf32, #tpu.memory_space<vmem>>, %arg4: memref<1024x16xf32, #tpu.memory_space<vmem>>, %arg5: memref<16x128xf32, #tpu.memory_space<vmem>>, %arg6: memref<1x128xf32, #tpu.memory_space<vmem>>, %arg7: memref<1024x128xf32, #tpu.memory_space<vmem>>, %arg8: memref<1024x128xf32, #tpu.memory_space<vmem>>) attributes {dimension_semantics = [#tpu.dimension_semantics<arbitrary>], iteration_bounds = array<i64: 320>, scalar_prefetch = 0 : i64, scratch_operands = 0 : i64, tpu.core_type = #tpu.core_type<tc>, window_params = [{transform_indices = @transform_0, window_bounds = array<i64: 1024, 128>}, {transform_indices = @transform_1, window_bounds = array<i64: 1024, 128>}, {transform_indices = @transform_2, window_bounds = array<i64: 1024, 128>}, {transform_indices = @transform_3, window_bounds = array<i64: 1024, 16>}, {pipeline_mode = #tpu.pipeline_mode<synchronous>, transform_indices = @transform_4, window_bounds = array<i64: 16, 128>}, {pipeline_mode = #tpu.pipeline_mode<synchronous>, transform_indices = @transform_5, window_bounds = array<i64: 1, 128>}, {transform_indices = @transform_6, window_bounds = array<i64: 1024, 128>}, {transform_indices = @transform_7, window_bounds = array<i64: 1024, 128>}]} {
    %get3A = arith.constant 0 : index
    %get3A_0 = arith.constant 0 : index
    %get3A_1 = vector.load %arg4[%get3A, %get3A_0] : memref<1024x16xf32, #tpu.memory_space<vmem>>, vector<1024x16xf32>
    %get3A_2 = arith.constant 0 : index
    %get3A_3 = arith.constant 0 : index
    %get3A_4 = vector.load %arg5[%get3A_2, %get3A_3] : memref<16x128xf32, #tpu.memory_space<vmem>>, vector<16x128xf32>
    %dot_general3A = arith.constant dense<0.000000e+00> : vector<1024x128xf32>
    %dot_general3A_5 = tpu.matmul %get3A_1, %get3A_4, %dot_general3A {dimension_numbers = #tpu.dot_dimension_numbers<[1], [0], [0], [1], [0, 0, 1, 1], [], []>, precision = #tpu.contract_precision<fp32>, transpose_lhs_hint = false} : vector<1024x16xf32>, vector<16x128xf32>, vector<1024x128xf32> -> vector<1024x128xf32>
    %get3A_6 = arith.constant 0 : index
    %get3A_7 = arith.constant 0 : index
    %get3A_8 = vector.load %arg6[%get3A_6, %get3A_7] : memref<1x128xf32, #tpu.memory_space<vmem>>, vector<1x128xf32>
    %add3A = vector.broadcast %get3A_8 : vector<1x128xf32> to vector<1024x128xf32>
    %add3A_9 = arith.addf %dot_general3A_5, %add3A : vector<1024x128xf32>
    %get3A_10 = arith.constant 0 : index
    %get3A_11 = arith.constant 0 : index
    %get3A_12 = vector.load %arg1[%get3A_10, %get3A_11] : memref<1024x128xf32, #tpu.memory_space<vmem>>, vector<1024x128xf32>
    %get3A_13 = arith.constant 0 : index
    %get3A_14 = arith.constant 0 : index
    %get3A_15 = vector.load %arg2[%get3A_13, %get3A_14] : memref<1024x128xf32, #tpu.memory_space<vmem>>, vector<1024x128xf32>
    %add3A_16 = arith.addf %get3A_15, %add3A_9 : vector<1024x128xf32>
    %mul3A = arith.mulf %get3A_12, %add3A_16 : vector<1024x128xf32>
    %iota3A = tpu.iota {dimensions = array<i32: 0>} : vector<128x128xi32>
    %iota3A_17 = tpu.iota {dimensions = array<i32: 1>} : vector<128x128xi32>
    %jit3A = arith.constant 16 : i32
    %div3A = vector.broadcast %jit3A : i32 to vector<128x128xi32>
    %div3A_18 = arith.divsi %iota3A, %div3A : vector<128x128xi32>
    %sign3A = arith.constant 0 : i32
    %sign3A_19 = vector.broadcast %sign3A : i32 to vector<128x128xi32>
    %sign3A_20 = arith.cmpi sgt, %iota3A, %sign3A_19 : vector<128x128xi32>
    %sign3A_21 = arith.extui %sign3A_20 : vector<128x128xi1> to vector<128x128xi32>
    %sign3A_22 = arith.constant 0 : i32
    %sign3A_23 = vector.broadcast %sign3A_22 : i32 to vector<128x128xi32>
    %sign3A_24 = arith.cmpi slt, %iota3A, %sign3A_23 : vector<128x128xi32>
    %sign3A_25 = arith.extui %sign3A_24 : vector<128x128xi1> to vector<128x128xi32>
    %sign3A_26 = arith.subi %sign3A_21, %sign3A_25 : vector<128x128xi32>
    %sign3A_27 = arith.constant 0 : i32
    %sign3A_28 = arith.cmpi sgt, %jit3A, %sign3A_27 : i32
    %sign3A_29 = arith.extui %sign3A_28 : i1 to i32
    %sign3A_30 = arith.constant 0 : i32
    %sign3A_31 = arith.cmpi slt, %jit3A, %sign3A_30 : i32
    %sign3A_32 = arith.extui %sign3A_31 : i1 to i32
    %sign3A_33 = arith.subi %sign3A_29, %sign3A_32 : i32
    %ne3A = vector.broadcast %sign3A_33 : i32 to vector<128x128xi32>
    %ne3A_34 = arith.cmpi ne, %sign3A_26, %ne3A : vector<128x128xi32>
    %rem3A = vector.broadcast %jit3A : i32 to vector<128x128xi32>
    %rem3A_35 = arith.remsi %iota3A, %rem3A : vector<128x128xi32>
    %ne3A_36 = arith.constant 0 : i32
    %ne3A_37 = vector.broadcast %ne3A_36 : i32 to vector<128x128xi32>
    %ne3A_38 = arith.cmpi ne, %rem3A_35, %ne3A_37 : vector<128x128xi32>
    %and3A = arith.andi %ne3A_34, %ne3A_38 : vector<128x128xi1>
    %sub3A = arith.constant 1 : i32
    %sub3A_39 = vector.broadcast %sub3A : i32 to vector<128x128xi32>
    %sub3A_40 = arith.subi %div3A_18, %sub3A_39 : vector<128x128xi32>
    %select_n3A = arith.select %and3A, %sub3A_40, %div3A_18 : vector<128x128xi1>, vector<128x128xi32>
    %jit3A_41 = arith.constant 16 : i32
    %div3A_42 = vector.broadcast %jit3A_41 : i32 to vector<128x128xi32>
    %div3A_43 = arith.divsi %iota3A_17, %div3A_42 : vector<128x128xi32>
    %sign3A_44 = arith.constant 0 : i32
    %sign3A_45 = vector.broadcast %sign3A_44 : i32 to vector<128x128xi32>
    %sign3A_46 = arith.cmpi sgt, %iota3A_17, %sign3A_45 : vector<128x128xi32>
    %sign3A_47 = arith.extui %sign3A_46 : vector<128x128xi1> to vector<128x128xi32>
    %sign3A_48 = arith.constant 0 : i32
    %sign3A_49 = vector.broadcast %sign3A_48 : i32 to vector<128x128xi32>
    %sign3A_50 = arith.cmpi slt, %iota3A_17, %sign3A_49 : vector<128x128xi32>
    %sign3A_51 = arith.extui %sign3A_50 : vector<128x128xi1> to vector<128x128xi32>
    %sign3A_52 = arith.subi %sign3A_47, %sign3A_51 : vector<128x128xi32>
    %sign3A_53 = arith.constant 0 : i32
    %sign3A_54 = arith.cmpi sgt, %jit3A_41, %sign3A_53 : i32
    %sign3A_55 = arith.extui %sign3A_54 : i1 to i32
    %sign3A_56 = arith.constant 0 : i32
    %sign3A_57 = arith.cmpi slt, %jit3A_41, %sign3A_56 : i32
    %sign3A_58 = arith.extui %sign3A_57 : i1 to i32
    %sign3A_59 = arith.subi %sign3A_55, %sign3A_58 : i32
    %ne3A_60 = vector.broadcast %sign3A_59 : i32 to vector<128x128xi32>
    %ne3A_61 = arith.cmpi ne, %sign3A_52, %ne3A_60 : vector<128x128xi32>
    %rem3A_62 = vector.broadcast %jit3A_41 : i32 to vector<128x128xi32>
    %rem3A_63 = arith.remsi %iota3A_17, %rem3A_62 : vector<128x128xi32>
    %ne3A_64 = arith.constant 0 : i32
    %ne3A_65 = vector.broadcast %ne3A_64 : i32 to vector<128x128xi32>
    %ne3A_66 = arith.cmpi ne, %rem3A_63, %ne3A_65 : vector<128x128xi32>
    %and3A_67 = arith.andi %ne3A_61, %ne3A_66 : vector<128x128xi1>
    %sub3A_68 = arith.constant 1 : i32
    %sub3A_69 = vector.broadcast %sub3A_68 : i32 to vector<128x128xi32>
    %sub3A_70 = arith.subi %div3A_43, %sub3A_69 : vector<128x128xi32>
    %select_n3A_71 = arith.select %and3A_67, %sub3A_70, %div3A_43 : vector<128x128xi1>, vector<128x128xi32>
    %eq3A = arith.cmpi eq, %select_n3A, %select_n3A_71 : vector<128x128xi32>
    %convert_element_type3A = arith.extui %eq3A : vector<128x128xi1> to vector<128x128xi32>
    %convert_element_type3A_72 = arith.sitofp %convert_element_type3A : vector<128x128xi32> to vector<128x128xf32>
    %dot_general3A_73 = arith.constant dense<0.000000e+00> : vector<1024x128xf32>
    %dot_general3A_74 = tpu.matmul %mul3A, %convert_element_type3A_72, %dot_general3A_73 {dimension_numbers = #tpu.dot_dimension_numbers<[1], [0], [0], [1], [0, 0, 1, 1], [], []>, precision = #tpu.contract_precision<fp32>, transpose_lhs_hint = false} : vector<1024x128xf32>, vector<128x128xf32>, vector<1024x128xf32> -> vector<1024x128xf32>
    %mul3A_75 = arith.constant 2.500000e-01 : f32
    %mul3A_76 = vector.broadcast %mul3A_75 : f32 to vector<1024x128xf32>
    %mul3A_77 = arith.mulf %dot_general3A_74, %mul3A_76 : vector<1024x128xf32>
    %exp3A = math.exp %mul3A_77 : vector<1024x128xf32>
    %get3A_78 = arith.constant 0 : index
    %get3A_79 = arith.constant 0 : index
    %get3A_80 = vector.load %arg3[%get3A_78, %get3A_79] : memref<1024x128xf32, #tpu.memory_space<vmem>>, vector<1024x128xf32>
    %mul3A_81 = arith.mulf %exp3A, %get3A_80 : vector<1024x128xf32>
    %swap3A = arith.constant 0 : index
    %swap3A_82 = arith.constant 0 : index
    %swap3A_83 = vector.load %arg7[%swap3A, %swap3A_82] : memref<1024x128xf32, #tpu.memory_space<vmem>>, vector<1024x128xf32>
    tpu.vector_store %arg7[%swap3A, %swap3A_82], %mul3A_81 {strides = array<i32>} : memref<1024x128xf32, #tpu.memory_space<vmem>>, vector<1024x128xf32>,
    %swap3A_84 = arith.constant 0 : index
    %swap3A_85 = arith.constant 0 : index
    %swap3A_86 = vector.load %arg8[%swap3A_84, %swap3A_85] : memref<1024x128xf32, #tpu.memory_space<vmem>>, vector<1024x128xf32>
    tpu.vector_store %arg8[%swap3A_84, %swap3A_85], %exp3A {strides = array<i32>} : memref<1024x128xf32, #tpu.memory_space<vmem>>, vector<1024x128xf32>,
    return
  }
  func.func @transform_0(%arg0: i32) -> (i32, i32) {
    %c0_i32 = arith.constant 0 : i32
    %c0_i32_0 = arith.constant 0 : i32
    return %arg0, %c0_i32 : i32, i32
  }
  func.func @transform_1(%arg0: i32) -> (i32, i32) {
    %c0_i32 = arith.constant 0 : i32
    %c0_i32_0 = arith.constant 0 : i32
    return %arg0, %c0_i32 : i32, i32
  }
  func.func @transform_2(%arg0: i32) -> (i32, i32) {
    %c0_i32 = arith.constant 0 : i32
    %c0_i32_0 = arith.constant 0 : i32
    return %arg0, %c0_i32 : i32, i32
  }
  func.func @transform_3(%arg0: i32) -> (i32, i32) {
    %c0_i32 = arith.constant 0 : i32
    %c0_i32_0 = arith.constant 0 : i32
    return %arg0, %c0_i32 : i32, i32
  }
  func.func @transform_4(%arg0: i32) -> (i32, i32) {
    %c0_i32 = arith.constant 0 : i32
    %c0_i32_0 = arith.constant 0 : i32
    %c0_i32_1 = arith.constant 0 : i32
    return %c0_i32, %c0_i32_0 : i32, i32
  }
  func.func @transform_5(%arg0: i32) -> (i32, i32) {
    %c0_i32 = arith.constant 0 : i32
    %c0_i32_0 = arith.constant 0 : i32
    %c0_i32_1 = arith.constant 0 : i32
    return %c0_i32, %c0_i32_0 : i32, i32
  }
  func.func @transform_6(%arg0: i32) -> (i32, i32) {
    %c0_i32 = arith.constant 0 : i32
    %c0_i32_0 = arith.constant 0 : i32
    return %arg0, %c0_i32 : i32, i32
  }
  func.func @transform_7(%arg0: i32) -> (i32, i32) {
    %c0_i32 = arith.constant 0 : i32
    %c0_i32_0 = arith.constant 0 : i32
    return %arg0, %c0_i32 : i32, i32
  }
}

module attributes {stable_mosaic.version = 14 : i64} {
  func.func @_final_body(%arg0: i32, %arg1: memref<2x1000x128xf32, #tpu.memory_space<vmem>>, %arg2: memref<2x1000x128xf32, #tpu.memory_space<vmem>>, %arg3: memref<128x128xf32, #tpu.memory_space<vmem>>, %arg4: memref<1x128xf32, #tpu.memory_space<vmem>>, %arg5: memref<1000x128xf32, #tpu.memory_space<vmem>>) attributes {dimension_semantics = [#tpu.dimension_semantics<arbitrary>], iteration_bounds = array<i64: 10>, scalar_prefetch = 0 : i64, scratch_operands = 0 : i64, tpu.core_type = #tpu.core_type<tc>, window_params = [{transform_indices = @transform_0, window_bounds = array<i64: 2, 1000, 128>}, {transform_indices = @transform_1, window_bounds = array<i64: 2, 1000, 128>}, {pipeline_mode = #tpu.pipeline_mode<synchronous>, transform_indices = @transform_2, window_bounds = array<i64: 128, 128>}, {pipeline_mode = #tpu.pipeline_mode<synchronous>, transform_indices = @transform_3, window_bounds = array<i64: 1, 128>}, {transform_indices = @transform_4, window_bounds = array<i64: 1000, 128>}]} {
    %get3A = arith.constant 0 : index
    %get3A_0 = arith.constant 0 : index
    %get3A_1 = arith.constant 0 : index
    %get3A_2 = vector.load %arg1[%get3A, %get3A_0, %get3A_1] : memref<2x1000x128xf32, #tpu.memory_space<vmem>>, vector<1x1000x128xf32>
    %get3A_3 = vector.shape_cast %get3A_2 : vector<1x1000x128xf32> to vector<1000x128xf32>
    %get3A_4 = arith.constant 1 : index
    %get3A_5 = arith.constant 0 : index
    %get3A_6 = arith.constant 0 : index
    %get3A_7 = vector.load %arg1[%get3A_4, %get3A_5, %get3A_6] : memref<2x1000x128xf32, #tpu.memory_space<vmem>>, vector<1x1000x128xf32>
    %get3A_8 = vector.shape_cast %get3A_7 : vector<1x1000x128xf32> to vector<1000x128xf32>
    %add3A = arith.addf %get3A_3, %get3A_8 : vector<1000x128xf32>
    %get3A_9 = arith.constant 0 : index
    %get3A_10 = arith.constant 0 : index
    %get3A_11 = arith.constant 0 : index
    %get3A_12 = vector.load %arg2[%get3A_9, %get3A_10, %get3A_11] : memref<2x1000x128xf32, #tpu.memory_space<vmem>>, vector<1x1000x128xf32>
    %get3A_13 = vector.shape_cast %get3A_12 : vector<1x1000x128xf32> to vector<1000x128xf32>
    %get3A_14 = arith.constant 1 : index
    %get3A_15 = arith.constant 0 : index
    %get3A_16 = arith.constant 0 : index
    %get3A_17 = vector.load %arg2[%get3A_14, %get3A_15, %get3A_16] : memref<2x1000x128xf32, #tpu.memory_space<vmem>>, vector<1x1000x128xf32>
    %get3A_18 = vector.shape_cast %get3A_17 : vector<1x1000x128xf32> to vector<1000x128xf32>
    %add3A_19 = arith.addf %get3A_13, %get3A_18 : vector<1000x128xf32>
    %add3A_20 = arith.constant 9.99999993E-9 : f32
    %add3A_21 = vector.broadcast %add3A_20 : f32 to vector<1000x128xf32>
    %add3A_22 = arith.addf %add3A_19, %add3A_21 : vector<1000x128xf32>
    %div3A = arith.constant 1.000000e+00 : f32
    %div3A_23 = vector.broadcast %div3A : f32 to vector<1000x128xf32>
    %div3A_24 = arith.divf %div3A_23, %add3A_22 : vector<1000x128xf32>
    %mul3A = arith.mulf %add3A, %div3A_24 : vector<1000x128xf32>
    %get3A_25 = arith.constant 0 : index
    %get3A_26 = arith.constant 0 : index
    %get3A_27 = vector.load %arg3[%get3A_25, %get3A_26] : memref<128x128xf32, #tpu.memory_space<vmem>>, vector<128x128xf32>
    %dot_general3A = arith.constant dense<0.000000e+00> : vector<1000x128xf32>
    %dot_general3A_28 = tpu.matmul %mul3A, %get3A_27, %dot_general3A {dimension_numbers = #tpu.dot_dimension_numbers<[1], [0], [0], [1], [0, 0, 1, 1], [], []>, precision = #tpu.contract_precision<fp32>, transpose_lhs_hint = false} : vector<1000x128xf32>, vector<128x128xf32>, vector<1000x128xf32> -> vector<1000x128xf32>
    %get3A_29 = arith.constant 0 : index
    %get3A_30 = arith.constant 0 : index
    %get3A_31 = vector.load %arg4[%get3A_29, %get3A_30] : memref<1x128xf32, #tpu.memory_space<vmem>>, vector<1x128xf32>
    %add3A_32 = vector.broadcast %get3A_31 : vector<1x128xf32> to vector<1000x128xf32>
    %add3A_33 = arith.addf %dot_general3A_28, %add3A_32 : vector<1000x128xf32>
    %swap3A = arith.constant 0 : index
    %swap3A_34 = arith.constant 0 : index
    %swap3A_35 = vector.load %arg5[%swap3A, %swap3A_34] : memref<1000x128xf32, #tpu.memory_space<vmem>>, vector<1000x128xf32>
    tpu.vector_store %arg5[%swap3A, %swap3A_34], %add3A_33 {strides = array<i32>} : memref<1000x128xf32, #tpu.memory_space<vmem>>, vector<1000x128xf32>,
    return
  }
  func.func @transform_0(%arg0: i32) -> (i32, i32, i32) {
    %c0_i32 = arith.constant 0 : i32
    %c0_i32_0 = arith.constant 0 : i32
    %c0_i32_1 = arith.constant 0 : i32
    return %c0_i32, %arg0, %c0_i32_0 : i32, i32, i32
  }
  func.func @transform_1(%arg0: i32) -> (i32, i32, i32) {
    %c0_i32 = arith.constant 0 : i32
    %c0_i32_0 = arith.constant 0 : i32
    %c0_i32_1 = arith.constant 0 : i32
    return %c0_i32, %arg0, %c0_i32_0 : i32, i32, i32
  }
  func.func @transform_2(%arg0: i32) -> (i32, i32) {
    %c0_i32 = arith.constant 0 : i32
    %c0_i32_0 = arith.constant 0 : i32
    %c0_i32_1 = arith.constant 0 : i32
    return %c0_i32, %c0_i32_0 : i32, i32
  }
  func.func @transform_3(%arg0: i32) -> (i32, i32) {
    %c0_i32 = arith.constant 0 : i32
    %c0_i32_0 = arith.constant 0 : i32
    %c0_i32_1 = arith.constant 0 : i32
    return %c0_i32, %c0_i32_0 : i32, i32
  }
  func.func @transform_4(%arg0: i32) -> (i32, i32) {
    %c0_i32 = arith.constant 0 : i32
    %c0_i32_0 = arith.constant 0 : i32
    return %arg0, %c0_i32 : i32, i32
  }
}

</mosaic_0001>

<sc_bundles>
// kernel: kernel.10.cloned.1.call-start
scs
__scs_entry_jumppad:
0x0: {  	(pc) =	sbr.rel $0x88, $3  }
0x1: {  	(tag) =	ssettag $0x0;
	lr =	simm.s32 $0x1  }
0x2: {  	[smem:$0x3F94] =	sst lr;
	_ =	strace $0xD0000000  }
0x3: {  	_ = 	snop  }
0x4: {  	_ = 	snop  }
0x5: {  	_ = 	snop  }
0x6: {  	_ = 	snop  }
0x7: {  	_ = 	snop  }
__scs_overlays_trampoline_lowered:
0x8: {  	[smem:$0x3FA3] =	sst s0  }
0x9: {  	[smem:$0x3FA4] =	sst s1  }
0xa: {  	[smem:$0x3FA5] =	sst s2  }
0xb: {  	[smem:$0x3FA6] =	sst s3  }
0xc: {  	[smem:$0x3FA7] =	sst s4  }
0xd: {  	[smem:$0x3FA8] =	sst s5  }
0xe: {  	[smem:$0x3FA9] =	sst s6  }
0xf: {  	[smem:$0x3FAA] =	sst s7  }
0x10: {  	[smem:$0x3FAB] =	sst s8  }
0x11: {  	[smem:$0x3FAC] =	sst s9;
	s0 =	simm.s32 @!p0 $0x0  }
0x12: {  	s1 =	sld [smem:$0x3F92];
	s0 =	simm.s32 @p0 $0x1  }
0x13: {  	[smem:$0x3FAD] =	sst s0;
	s0 =	simm.s32 @!p1 $0x0  }
0x14: {  	s2 =	sld [smem:$0x3F91];
	s0 =	simm.s32 @p1 $0x1  }
0x15: {  	[smem:$0x3FAE] =	sst s0;
	s0 =	simm.s32 @!p2 $0x0  }
0x16: {  	s3 =	sld [smem:$0x3FDB];
	s0 =	simm.s32 @p2 $0x1  }
0x17: {  	s4 =	simm.s32 $0x1BF5;
	[smem:$0x3FB0] =	sst s0  }
0x18: {  	s0 =	sld [smem:$0x3F93];
	_ =	swait.ge [sflag:s4], $0x0  }
0x19: {  	s7 =	sld [smem:$0x3F94]  }
0x1a: {  	s8 =	sadd.s32 $0xFFFFE003, lr  }
0x1b: {  	s9 =	sadd.s32 $0xFFFFFEF7, lr;
	s5 =	simm.s32 $0xFFFFFFFF;
	p2 =	slt.u32 s8, $0xFFFFF086  }
0x1c: {  	p1 =	slt.u32 s9, $0xF7A;
	s5 =	simm.s32 @!p2 $0x0  }
0x1d: {  	s5 =	simm.s32 @p1 $0x1;
	p0 =	seq.s32 s7, s2  }
0x1e: {  	s7 =	smul.u32 @!p0 $0xF7A, s2;
	p2 =	seq.s32 @!p0 s5, $0x0  }
0x1f: {  	s9 =	smul.u32 $0xF7A, s1;
	s8 =	simm.s32 @!p0 $0x1BF5;
	p2 =	por !p2, p0  }
0x20: {  	[sflag:s8] =	ssyncset.s32 @!p0 $0xFFFFF086;
	s6 =	sadd.s32 @!p0 s3, s7;
	s7 =	simm.s32 @!p0 $0x108  }
0x21: {  	s3 =	sadd.s32 s3, s9;
	s6 =	sadd.s32 @!p0 $0x88, s6;
	s7 =	simm.s32 @p2 $0x1082  }
0x22: {  	[simem:s7], [sflag:s8] =	dma.local @!p0 [hbm:s6], $0xF7A  }
0x23: {  	s9 =	sor.u32 $0xD0000000, s2;
	s6 =	simm.s32 $0x108;
	_ =	swait.ge @!p0 [sflag:s8], $0x0  }
0x24: {  	s3 =	sadd.s32 $0x88, s3;
	s6 =	simm.s32 @!p1 $0x1082;
	[sflag:s4] =	ssyncset.s32 $0xFFFFF086  }
0x25: {  	[simem:s6], [sflag:s4] =	dma.local [hbm:s3], $0xF7A  }
0x26: {  	[smem:$0x3F94] =	sst s1;
	(tag) =	ssettag s2;
	_ =	strace s9  }
0x27: {  	s1 =	sld [smem:$0x3FA4]  }
0x28: {  	s2 =	sld [smem:$0x3FA5]  }
0x29: {  	s4 =	sld [smem:$0x3FA7]  }
0x2a: {  	p0 =	seq.s32 s5, $0x0;
	s5 =	sld [smem:$0x3FA8]  }
0x2b: {  	s6 =	sld [smem:$0x3FA9]  }
0x2c: {  	s7 =	sld [smem:$0x3FAA]  }
0x2d: {  	s3 =	simm.s32 $0x108;
	s8 =	sld [smem:$0x3FAB]  }
0x2e: {  	s3 =	simm.s32 @!p0 $0x1082;
	s9 =	sld [smem:$0x3FAC]  }
0x2f: {  	lr =	sadd.s32 s0, s3;
	s0 =	sld [smem:$0x3FA3]  }
0x30: {  	s3 =	sld [smem:$0x3FA6]  }
0x31: {  	[smem:$0x3FAF] =	sst s10  }
0x32: {  	s10 =	sld [smem:$0x3FAD];
	_ =	sdelay $0x3  }
0x33: {  	p0 =	seq.s32 s10, $0x1;
	s10 =	sld [smem:$0x3FAF];
	_ =	sdelay $0x3  }
0x34: {  	[smem:$0x3FAF] =	sst s10  }
0x35: {  	s10 =	sld [smem:$0x3FAE];
	_ =	sdelay $0x3  }
0x36: {  	p1 =	seq.s32 s10, $0x1;
	s10 =	sld [smem:$0x3FAF];
	_ =	sdelay $0x3  }
0x37: {  	[smem:$0x3FAF] =	sst s10  }
0x38: {  	s10 =	sld [smem:$0x3FB0]  }
0x39: {  	_ = 	snop;
	(pc) =	sbr.ind lr, $3  }
0x3a: {  	_ = 	snop  }
0x3b: {  	_ = 	snop  }
0x3c: {  	p2 =	seq.s32 s10, $0x1;
	s10 =	sld [smem:$0x3FAF]  }
0x3d: {  	_ =	shalt  }
0x3e: {  	_ =	shalt  }
0x3f: {  	_ =	shalt  }
0x40: {  	_ =	shalt  }
0x41: {  	_ =	shalt  }
0x42: {  	_ =	shalt  }
0x43: {  	_ =	shalt  }
0x44: {  	_ =	shalt  }
0x45: {  	_ =	shalt  }
0x46: {  	_ =	shalt  }
0x47: {  	_ =	shalt  }
0x48: {  	_ =	shalt  }
0x49: {  	_ =	shalt  }
0x4a: {  	_ =	shalt  }
0x4b: {  	_ =	shalt  }
0x4c: {  	_ =	shalt  }
0x4d: {  	_ =	shalt  }
0x4e: {  	_ =	shalt  }
0x4f: {  	_ =	shalt  }
0x50: {  	_ =	shalt  }
0x51: {  	_ =	shalt  }
0x52: {  	_ =	shalt  }
0x53: {  	_ =	shalt  }
0x54: {  	_ =	shalt  }
0x55: {  	_ =	shalt  }
0x56: {  	_ =	shalt  }
0x57: {  	_ =	shalt  }
0x58: {  	_ =	shalt  }
0x59: {  	_ =	shalt  }
0x5a: {  	_ =	shalt  }
0x5b: {  	_ =	shalt  }
0x5c: {  	_ =	shalt  }
0x5d: {  	_ =	shalt  }
0x5e: {  	_ =	shalt  }
0x5f: {  	_ =	shalt  }
0x60: {  	_ =	shalt  }
0x61: {  	_ =	shalt  }
0x62: {  	_ =	shalt  }
0x63: {  	_ =	shalt  }
0x64: {  	_ =	shalt  }
0x65: {  	_ =	shalt  }
0x66: {  	_ =	shalt  }
0x67: {  	_ =	shalt  }
0x68: {  	_ =	shalt  }
0x69: {  	_ =	shalt  }
0x6a: {  	_ =	shalt  }
0x6b: {  	_ =	shalt  }
0x6c: {  	_ =	shalt  }
0x6d: {  	_ =	shalt  }
0x6e: {  	_ =	shalt  }
0x6f: {  	_ =	shalt  }
0x70: {  	_ =	shalt  }
0x71: {  	_ =	shalt  }
0x72: {  	_ =	shalt  }
0x73: {  	_ =	shalt  }
0x74: {  	_ =	shalt  }
0x75: {  	_ =	shalt  }
0x76: {  	_ =	shalt  }
0x77: {  	_ =	shalt  }
0x78: {  	_ =	shalt  }
0x79: {  	_ =	shalt  }
0x7a: {  	_ =	shalt  }
0x7b: {  	_ =	shalt  }
0x7c: {  	_ =	shalt  }
0x7d: {  	_ =	shalt  }
0x7e: {  	_ =	shalt  }
0x7f: {  	_ =	shalt  }
0x80: {  	_ =	shalt  }
0x81: {  	_ =	shalt  }
0x82: {  	_ =	shalt  }
0x83: {  	_ =	shalt  }
0x84: {  	_ =	shalt  }
0x85: {  	_ =	shalt  }
0x86: {  	_ =	shalt  }
0x87: {  	_ =	shalt  }
.Lfunc_end0:
.L_simem_size_0:
called_computation.1_lowered:
.L_overlay_start_0:
0x88: {  	s2 =	sld [smem:$0x3FD9]  }
0x89: {  	s3 =	sld [smem:$0x3FFE];
	_ =	sdelay $0x1  }
0x8a: {  	s1 =	srdreg.scid  }
0x8b: {  	s0 =	sand.u32 $0x1, s1  }
0x8c: {  	s17 =	sshll.u32 s0, $0xA;
	s2 =	sadd.s32 s3, s2  }
0x8d: {  	s2 =	sadd.s32 s2, s17  }
0x8e: {  	[smem:$0x3FBB] =	sst s2  }
0x8f: {  	_ = 	snop  }
0x90: {  	s2 =	sld [smem:$0x3FD0];
	(tm) =	ssettm $0x1  }
0x91: {  	s18 =	sld [smem:$0x3FFB];
	_ =	sdelay $0x3  }
0x92: {  	_ =	strace s18  }
0x93: {  	s3 =	sld [smem:$0x3FFC];
	_ =	sdelay $0x3  }
0x94: {  	_ =	strace s3  }
0x95: {  	s3 =	sld [smem:$0x3FFD];
	_ =	sdelay $0x3  }
0x96: {  	_ =	strace s3  }
0x97: {  	_ =	strace $0x8FFFFFFF  }
0x98: {  	s19 =	sld [smem:$0x3FDB];
	_ =	sdelay $0x1  }
0x99: {  	s4 =	simm.s32 $_scs_section_size  }
0x9a: {  	s5 =	simm.s32 $_size__tile_overlayer_lowered;
	s6 =	simm.s32 $_tile_overlayer_lowered  }
0x9b: {  	s22 =	simm.s32 $0x1BFF;
	s21 =	sshll.u32 s6, $0x1;
	s3 =	sadd.s32 s4, s19  }
0x9c: {  	s7 =	simm.s32 $0x0;
	s20 =	sshll.u32 s5, $0x1;
	s5 =	sadd.s32 s21, s3  }
0x9d: {  	[timem:s7], [sflag:s22] =	dma.local [hbm:s5], s20  }
0x9e: {  	_ =	swait.ge [sflag:s22], s20  }
0x9f: {  	s4 =	ssub.s32 $0x0, s20;
	[sflag:s22] =	ssyncset.done $0x0  }
0xa0: {  	[sflag:s22] =	ssyncadd.s32 s4;
	_ =	sdelay $0x1  }
0xa1: {  	s23 =	simm.s32 $0x1B8B  }
0xa2: {  	_ =	swait.ge [sflag:s23], $0x1  }
0xa3: {  	[sflag:s23] =	ssyncset.done $0x0  }
0xa4: {  	s25 =	simm.s32 $0x1B8E;
	s24 =	sld [smem:$0x3FFE];
	[sflag:s23] =	ssyncadd.s32 $0xFFFFFFFF  }
0xa5: {  	s26 =	simm.s32 $execute0_lowered;
	[smem:$0x3FD2] =	sst s25  }
0xa6: {  	s5 =	sshll.u32 s26, $0x1;
	_ =	strace $0x80000049;
	[dreg:$0x1] =	wrdreg $0xFFFFFFFF  }
0xa7: {  	s28 =	simm.s32 $_size_execute0_lowered;
	s3 =	sadd.s32 s3, s5;
	[dreg:$0x0] =	wrdreg $0x0  }
0xa8: {  	s5 =	sshll.u32 s28, $0x1;
	[dreg:$0x2] =	wrdreg s3  }
0xa9: {  	[dreg:$0x3] =	wrdreg s5  }
0xaa: {  	[dreg:$0x4] =	wrdreg $0xC0  }
0xab: {  	_ =	task [dreg:s7], $0x5FFFF  }
0xac: {  	[dreg:$0x1] =	wrdreg $0xFFFFFFFF  }
0xad: {  	[dreg:$0x0] =	wrdreg $0x60  }
0xae: {  	[dreg:$0x2] =	wrdreg s24  }
0xaf: {  	[dreg:$0x3] =	wrdreg s2  }
0xb0: {  	[dreg:$0x4] =	wrdreg $0x68000  }
0xb1: {  	[dreg:$0x5] =	wrdreg $0x9  }
0xb2: {  	_ =	task.clear_ibuf [dreg:s7], $0x6FFFF;
	_ =	strace $0x90000049  }
0xb3: {  	s29 =	simm.s32 $0x9;
	_ =	strace $0x8000004B  }
0xb4: {  	_ =	swait.ge [sflag:s29], $0x1  }
0xb5: {  	[sflag:s29] =	ssyncadd.s32 $0xFFFFFFFF  }
0xb6: {  	_ =	strace $0x9000004B  }
0xb7: {  	_ =	sfence  }
0xb8: {  	s30 =	sld [smem:$0x0];
	_ =	sdelay $0x2  }
0xb9: {  	s31 =	sshll.u32 s1, $0xD;
	s1 =	sshrl.u32 s1, $0x2  }
0xba: {  	s3 =	sand.u32 $0x4000, s31;
	s1 =	sadd.s32 s1, s30  }
0xbb: {  	s0 =	sor.u32 s3, s0;
	s1 =	sshll.u32 s1, $0x11  }
0xbc: {  	s0 =	sor.u32 s1, s0  }
0xbd: {  	s0 =	sadd.s32 $0x8F2B, s0  }
0xbe: {  	[sflag:s0] =	ssyncadd.remote.s32 $0x1  }
0xbf: {  	_ =	sfence.sel $0xFFFF  }
0xc0: {  	[dreg:$0x0] =	wrdreg $0xFFFFFFFF;
	(pc) =	sbr.abs _section_cstart, $3  }
0xc1: {  	[dreg:$0x1] =	wrdreg $0xFFFFFFFF  }
0xc2: {  	_ =	task.clear_ibuf [dreg:s7], $0x2FFFF;
	_ =	strace $0x9FFFFFFF  }
0xc3: {  	(tm) =	ssettm $0x7FFFFFFF  }
tec
execute0_lowered:
.L_overlay_start_1:
0x0: {  	(tag) =	ssettag $0x1  }
0x1: {  	s5 =	rddreg [dreg:$0x0]  }
0x2: {  	s1 =	rddreg [dreg:$0x1]  }
0x3: {  	s0 =	srdreg.scid;
	s3 =	rddreg [dreg:$0x2]  }
0x4: {  	s2 =	stileid.u32;
	s4 =	simm.s32 $0x0;
	s13 =	simm.s32 $0x2800  }
0x5: {  	s14 =	simm.s32 $0x1;
	s15 =	simm.s32 $0x80;
	s10 =	smul.u32 $0x28000, s2  }
0x6: {  	s6 =	sand.u32 $0x1, s0;
	s0 =	rddreg [dreg:$0x3];
	s11 =	smul.u32 $0x2800, s2  }
0x7: {  	s16 =	simm.s32 $0x0;
	[smem:$0x7FF] =	sst s4;
	s8 =	smul.u32 $0x280000, s6  }
0x8: {  	s7 =	sshll.u32 s6, $0x4;
	s9 =	smul.u32 $0x28000, s6;
	s6 =	ssub.s32 $0x2, s6  }
0x9: {  	_ =	strace $0x8000004A;
	s7 =	sor.u32 s2, s7;
	s31 =	sshrl.u32 s6, $0x1  }
0xa: {  	s7 =	smul.u32 $0x500, s7;
	s8 =	sadd.s32 s8, s5;
	s9 =	sadd.s32 s9, s5  }
0xb: {  	s12 =	ssub.s32 s6, s31;
	s10 =	sadd.s32 s10, s8;
	s11 =	sadd.s32 s11, s9  }
0xc: {  	s8 =	smax.u32 s12, $0x1;
	s7 =	sadd.s32 s7, s5;
	s5 =	smul.u32 $0x280, s2  }
0xd: {  	s9 =	sadd.s32 $0xE200, s11;
	s11 =	sadd.s32 $0x5E200, s11;
	s6 =	sadd.s32 $0x4200, s7  }
0xe: {  	v0 =	vlaneseq.u32;
	vm0 =	vmmov $0xffff;
	s12 =	simm.s32 $0x2;
	s7 =	sadd.s32 $0x1968200, s10;
	s10 =	sadd.s32 $0x1E68200, s10  }
.LBB2_1:
0xf: {  	[tilespmem:s4], [sflag:$0x2] =	stream.linear.gather [hbm4b:s6+s4], $0x2800, $0x38;
	[tilespmem:$0x1A800] =	vst v63  }
0x10: {  	_ =	swait.ge [sflag:s12], $0x2800  }
0x11: {  	s17 =	sadd.s32 $0x0, s5;
	[sflag:s12] =	ssyncset.done $0x0  }
0x12: {  	v1 =	vor.u32 s17, v0;
	[sflag:s12] =	ssyncadd.s32 $0xFFFFD800  }
0x13: {  	[tilespmem:s13], [sflag:$0x2] =	stream.linear.gather [hbm4b:s1+s4], $0x2000, $0x38;
	[tilespmem:$0x1A800] =	vst v63  }
0x14: {  	_ =	swait.ge [sflag:s12], $0x2000  }
0x15: {  	[sflag:s12] =	ssyncset.done $0x0  }
0x16: {  	s31 =	sadd.s32 $0x10, s5;
	[sflag:s12] =	ssyncadd.s32 $0xFFFFE000  }
0x17: {  	[spmem:s3] =	stream.indirect_vreg.scatter [tilespmem:s13], [sflag:$0x2], $0x80, v1, vm0, $0xb8;
	v1 =	vor.u32 s31, v0;
	[tilespmem:$0x1A800] =	vst v63  }
0x18: {  	_ = 	snop  }
0x19: {  	_ =	swait.ge [sflag:s12], $0x800  }
0x1a: {  	s17 =	simm.s32 $0x20;
	[sflag:s12] =	ssyncset.done $0x0  }
.LBB2_2:
0x1b: {  	s18 =	sadd.s32 s17, s5;
	[sflag:s12] =	ssyncadd.s32 $0xFFFFF800;
	p0 =	sne.s32 s17, $0x270  }
0x1c: {  	[spmem:s3] =	stream.indirect_vreg.scatter [tilespmem:s13], [sflag:$0x2], $0x80, v1, vm0, $0xb8;
	[tilespmem:$0x1A800] =	vst v63  }
.Ltmp0:
0x1d: {  	_ = 	snop;
	(pc) =	sbr.rel @p0 .LBB2_2-.Ltmp0, $3  }
0x1e: {  	v1 =	vor.u32 s18, v0;
	_ =	sdelay $0x1  }
0x1f: {  	s17 =	sadd.s32 $0x10, s17;
	_ =	swait.ge [sflag:s12], $0x800  }
0x20: {  	[sflag:s12] =	ssyncset.done $0x0  }
0x21: {  	_ =	sdelay $0x2  }
0x22: {  	[sflag:s12] =	ssyncadd.s32 $0xFFFFF800  }
0x23: {  	[spmem:s3] =	stream.indirect_vreg.scatter [tilespmem:s13], [sflag:$0x2], $0x80, v1, vm0, $0xb8;
	[tilespmem:$0x1A800] =	vst v63  }
0x24: {  	_ =	swait.ge [sflag:s12], $0x800  }
0x25: {  	[sflag:s12] =	ssyncset.done $0x0  }
0x26: {  	[sflag:s12] =	ssyncadd.s32 $0xFFFFF800  }
0x27: {  	[bflag:$0x0] =	sbarrier.arrive $0xFFFF  }
0x28: {  	[tilespmem:s13], [sflag:$0x1] =	stream.linear.gather [hbm4b:s7+s4], $0x4000, $0x38;
	[tilespmem:$0x1A800] =	vst v63  }
0x29: {  	_ =	swait.ge [sflag:s14], $0x4000  }
0x2a: {  	[sflag:s14] =	ssyncset.done $0x0  }
0x2b: {  	s17 =	simm.s32 $0x0;
	[sflag:s14] =	ssyncadd.s32 $0xFFFFC000  }
0x2c: {  	[spmem:s3] =	stream.indirect.scatter.add.f32 [tilespmem:s13], [sflag:$0x2], $0x80, s17, s15, $0xb8;
	[tilespmem:$0x1A800] =	vst v63  }
0x2d: {  	_ =	swait.ge [sflag:s12], $0x4000  }
0x2e: {  	s18 =	smov.u32 s7;
	s17 =	simm.s32 $0x200;
	[sflag:s12] =	ssyncset.done $0x0  }
.LBB2_4:
0x2f: {  	p0 =	sne.s32 s17, $0x9E00;
	[sflag:s12] =	ssyncadd.s32 $0xFFFFC000;
	s18 =	sadd.s32 $0x800, s18  }
0x30: {  	[tilespmem:s13], [sflag:$0x1] =	stream.linear.gather [hbm4b:s18+s4], $0x4000, $0x38;
	[tilespmem:$0x1A800] =	vst v63  }
0x31: {  	s19 =	smov.u32 s17;
	s17 =	sadd.s32 $0x200, s17;
	_ =	swait.ge [sflag:s14], $0x4000  }
.Ltmp1:
0x32: {  	[sflag:s14] =	ssyncset.done $0x0;
	(pc) =	sbr.rel @p0 .LBB2_4-.Ltmp1, $4  }
0x33: {  	s19 =	sshra.s32 s19, $0x2;
	[sflag:s14] =	ssyncadd.s32 $0xFFFFC000  }
0x34: {  	[spmem:s3] =	stream.indirect.scatter.add.f32 [tilespmem:s13], [sflag:$0x2], $0x80, s19, s15, $0xb8;
	[tilespmem:$0x1A800] =	vst v63  }
0x35: {  	_ =	swait.ge [sflag:s12], $0x4000  }
0x36: {  	[sflag:s12] =	ssyncset.done $0x0  }
0x37: {  	s17 =	sadd.s32 $0x0, s5  }
0x38: {  	v1 =	vor.u32 s17, v0;
	_ =	sdelay $0x2  }
0x39: {  	[sflag:s12] =	ssyncadd.s32 $0xFFFFC000  }
0x3a: {  	[bflag:$0x0] =	sbarrier.arrive $0xFFFF  }
0x3b: {  	[tilespmem:s13], [sflag:$0x2] =	stream.indirect_vreg.gather [spmem:s3], $0x80, v1, vm0, $0xb8;
	[tilespmem:$0x1A800] =	vst v63  }
0x3c: {  	_ =	swait.ge [sflag:s12], $0x800  }
0x3d: {  	[sflag:s12] =	ssyncset.done $0x0  }
0x3e: {  	s31 =	sadd.s32 $0x10, s5;
	[sflag:s12] =	ssyncadd.s32 $0xFFFFF800  }
0x3f: {  	v1 =	vor.u32 s31, v0;
	[hbm4b:s9+s4] =	stream.linear.scatter [tilespmem:s13], [sflag:$0x2], $0x800, $0x38;
	[tilespmem:$0x1A800] =	vst v63  }
0x40: {  	_ =	swait.ge [sflag:s12], $0x800  }
0x41: {  	s18 =	simm.s32 $0x20;
	s17 =	smov.u32 s9;
	[sflag:s12] =	ssyncset.done $0x0  }
.LBB2_6:
0x42: {  	[sflag:s12] =	ssyncadd.s32 $0xFFFFF800  }
0x43: {  	s17 =	sadd.s32 $0x100, s17;
	s19 =	smov.u32 s18;
	s20 =	sadd.s32 $0x10, s18  }
0x44: {  	[tilespmem:s13], [sflag:$0x2] =	stream.indirect_vreg.gather [spmem:s3], $0x80, v1, vm0, $0xb8;
	[tilespmem:$0x1A800] =	vst v63  }
0x45: {  	p0 =	sne.s32 s18, $0x270;
	_ =	swait.ge [sflag:s12], $0x800  }
.Ltmp2:
0x46: {  	s18 =	sadd.s32 s19, s5;
	[sflag:s12] =	ssyncset.done $0x0;
	(pc) =	sbr.rel @p0 .LBB2_6-.Ltmp2, $4  }
0x47: {  	v1 =	vor.u32 s18, v0;
	[sflag:s12] =	ssyncadd.s32 $0xFFFFF800  }
0x48: {  	[hbm4b:s17+s4] =	stream.linear.scatter [tilespmem:s13], [sflag:$0x2], $0x800, $0x38;
	[tilespmem:$0x1A800] =	vst v63  }
0x49: {  	_ =	swait.ge [sflag:s12], $0x800  }
0x4a: {  	s18 =	smov.u32 s20;
	[sflag:s12] =	ssyncset.done $0x0  }
0x4b: {  	_ =	sdelay $0x2  }
0x4c: {  	[sflag:s12] =	ssyncadd.s32 $0xFFFFF800  }
0x4d: {  	[tilespmem:s13], [sflag:$0x2] =	stream.indirect_vreg.gather [spmem:s3], $0x80, v1, vm0, $0xb8;
	[tilespmem:$0x1A800] =	vst v63  }
0x4e: {  	_ =	swait.ge [sflag:s12], $0x800  }
0x4f: {  	[sflag:s12] =	ssyncset.done $0x0  }
0x50: {  	s17 =	sadd.s32 $0x100, s17;
	[sflag:s12] =	ssyncadd.s32 $0xFFFFF800  }
0x51: {  	[hbm4b:s17+s4] =	stream.linear.scatter [tilespmem:s13], [sflag:$0x2], $0x800, $0x38;
	[tilespmem:$0x1A800] =	vst v63  }
0x52: {  	_ =	swait.ge [sflag:s12], $0x800  }
0x53: {  	s29 =	sadd.s32 $0x0, s5;
	[sflag:s12] =	ssyncset.done $0x0  }
0x54: {  	s30 =	simm.s32 $0x0;
	v1 =	vor.u32 s29, v0;
	[sflag:s12] =	ssyncadd.s32 $0xFFFFF800  }
0x55: {  	[tilespmem:s13], [sflag:$0x2] =	stream.linear.gather [hbm4b:s1+s30], $0x2000, $0x38;
	[tilespmem:$0x1A800] =	vst v63  }
0x56: {  	_ =	swait.ge [sflag:s12], $0x2000  }
0x57: {  	[sflag:s12] =	ssyncset.done $0x0  }
0x58: {  	s31 =	sadd.s32 $0x10, s5;
	[sflag:s12] =	ssyncadd.s32 $0xFFFFE000  }
0x59: {  	[spmem:s3] =	stream.indirect_vreg.scatter [tilespmem:s13], [sflag:$0x2], $0x80, v1, vm0, $0xb8;
	v1 =	vor.u32 s31, v0;
	[tilespmem:$0x1A800] =	vst v63  }
0x5a: {  	_ = 	snop  }
0x5b: {  	_ =	swait.ge [sflag:s12], $0x800  }
0x5c: {  	s17 =	simm.s32 $0x20;
	[sflag:s12] =	ssyncset.done $0x0  }
.LBB2_8:
0x5d: {  	s18 =	sadd.s32 s17, s5;
	[sflag:s12] =	ssyncadd.s32 $0xFFFFF800;
	p0 =	sne.s32 s17, $0x270  }
0x5e: {  	[spmem:s3] =	stream.indirect_vreg.scatter [tilespmem:s13], [sflag:$0x2], $0x80, v1, vm0, $0xb8;
	[tilespmem:$0x1A800] =	vst v63  }
.Ltmp3:
0x5f: {  	_ = 	snop;
	(pc) =	sbr.rel @p0 .LBB2_8-.Ltmp3, $3  }
0x60: {  	v1 =	vor.u32 s18, v0;
	_ =	sdelay $0x1  }
0x61: {  	s17 =	sadd.s32 $0x10, s17;
	_ =	swait.ge [sflag:s12], $0x800  }
0x62: {  	[sflag:s12] =	ssyncset.done $0x0  }
0x63: {  	_ =	sdelay $0x2  }
0x64: {  	[sflag:s12] =	ssyncadd.s32 $0xFFFFF800  }
0x65: {  	[spmem:s3] =	stream.indirect_vreg.scatter [tilespmem:s13], [sflag:$0x2], $0x80, v1, vm0, $0xb8;
	[tilespmem:$0x1A800] =	vst v63  }
0x66: {  	_ =	swait.ge [sflag:s12], $0x800  }
0x67: {  	[sflag:s12] =	ssyncset.done $0x0  }
0x68: {  	[sflag:s12] =	ssyncadd.s32 $0xFFFFF800  }
0x69: {  	[bflag:$0x0] =	sbarrier.arrive $0xFFFF  }
0x6a: {  	[tilespmem:s13], [sflag:$0x1] =	stream.linear.gather [hbm4b:s10+s4], $0x4000, $0x38;
	[tilespmem:$0x1A800] =	vst v63  }
0x6b: {  	_ =	swait.ge [sflag:s14], $0x4000  }
0x6c: {  	[sflag:s14] =	ssyncset.done $0x0  }
0x6d: {  	s17 =	simm.s32 $0x0;
	[sflag:s14] =	ssyncadd.s32 $0xFFFFC000  }
0x6e: {  	[spmem:s3] =	stream.indirect.scatter.add.f32 [tilespmem:s13], [sflag:$0x2], $0x80, s17, s15, $0xb8;
	[tilespmem:$0x1A800] =	vst v63  }
0x6f: {  	_ =	swait.ge [sflag:s12], $0x4000  }
0x70: {  	s18 =	smov.u32 s10;
	s17 =	simm.s32 $0x200;
	[sflag:s12] =	ssyncset.done $0x0  }
.LBB2_10:
0x71: {  	p0 =	sne.s32 s17, $0x9E00;
	[sflag:s12] =	ssyncadd.s32 $0xFFFFC000;
	s18 =	sadd.s32 $0x800, s18  }
0x72: {  	[tilespmem:s13], [sflag:$0x1] =	stream.linear.gather [hbm4b:s18+s4], $0x4000, $0x38;
	[tilespmem:$0x1A800] =	vst v63  }
0x73: {  	s19 =	smov.u32 s17;
	s17 =	sadd.s32 $0x200, s17;
	_ =	swait.ge [sflag:s14], $0x4000  }
.Ltmp4:
0x74: {  	[sflag:s14] =	ssyncset.done $0x0;
	(pc) =	sbr.rel @p0 .LBB2_10-.Ltmp4, $4  }
0x75: {  	s19 =	sshra.s32 s19, $0x2;
	[sflag:s14] =	ssyncadd.s32 $0xFFFFC000  }
0x76: {  	[spmem:s3] =	stream.indirect.scatter.add.f32 [tilespmem:s13], [sflag:$0x2], $0x80, s19, s15, $0xb8;
	[tilespmem:$0x1A800] =	vst v63  }
0x77: {  	_ =	swait.ge [sflag:s12], $0x4000  }
0x78: {  	[sflag:s12] =	ssyncset.done $0x0  }
0x79: {  	s17 =	sadd.s32 $0x0, s5  }
0x7a: {  	v1 =	vor.u32 s17, v0;
	_ =	sdelay $0x2  }
0x7b: {  	[sflag:s12] =	ssyncadd.s32 $0xFFFFC000  }
0x7c: {  	[bflag:$0x0] =	sbarrier.arrive $0xFFFF  }
0x7d: {  	[tilespmem:s13], [sflag:$0x2] =	stream.indirect_vreg.gather [spmem:s3], $0x80, v1, vm0, $0xb8;
	[tilespmem:$0x1A800] =	vst v63  }
0x7e: {  	_ =	swait.ge [sflag:s12], $0x800  }
0x7f: {  	[sflag:s12] =	ssyncset.done $0x0  }
0x80: {  	s31 =	sadd.s32 $0x10, s5;
	[sflag:s12] =	ssyncadd.s32 $0xFFFFF800  }
0x81: {  	v1 =	vor.u32 s31, v0;
	[hbm4b:s11+s4] =	stream.linear.scatter [tilespmem:s13], [sflag:$0x2], $0x800, $0x38;
	[tilespmem:$0x1A800] =	vst v63  }
0x82: {  	_ =	swait.ge [sflag:s12], $0x800  }
0x83: {  	s18 =	simm.s32 $0x20;
	s17 =	smov.u32 s11;
	[sflag:s12] =	ssyncset.done $0x0  }
.LBB2_12:
0x84: {  	[sflag:s12] =	ssyncadd.s32 $0xFFFFF800  }
0x85: {  	s17 =	sadd.s32 $0x100, s17;
	s19 =	smov.u32 s18;
	s20 =	sadd.s32 $0x10, s18  }
0x86: {  	[tilespmem:s13], [sflag:$0x2] =	stream.indirect_vreg.gather [spmem:s3], $0x80, v1, vm0, $0xb8;
	[tilespmem:$0x1A800] =	vst v63  }
0x87: {  	p0 =	sne.s32 s18, $0x270;
	_ =	swait.ge [sflag:s12], $0x800  }
.Ltmp5:
0x88: {  	s18 =	sadd.s32 s19, s5;
	[sflag:s12] =	ssyncset.done $0x0;
	(pc) =	sbr.rel @p0 .LBB2_12-.Ltmp5, $4  }
0x89: {  	v1 =	vor.u32 s18, v0;
	[sflag:s12] =	ssyncadd.s32 $0xFFFFF800  }
0x8a: {  	[hbm4b:s17+s4] =	stream.linear.scatter [tilespmem:s13], [sflag:$0x2], $0x800, $0x38;
	[tilespmem:$0x1A800] =	vst v63  }
0x8b: {  	_ =	swait.ge [sflag:s12], $0x800  }
0x8c: {  	s18 =	smov.u32 s20;
	[sflag:s12] =	ssyncset.done $0x0  }
0x8d: {  	_ =	sdelay $0x2  }
0x8e: {  	[sflag:s12] =	ssyncadd.s32 $0xFFFFF800  }
0x8f: {  	[tilespmem:s13], [sflag:$0x2] =	stream.indirect_vreg.gather [spmem:s3], $0x80, v1, vm0, $0xb8;
	[tilespmem:$0x1A800] =	vst v63  }
0x90: {  	s16 =	sadd.s32 $0x1, s16;
	_ =	swait.ge [sflag:s12], $0x800  }
0x91: {  	p0 =	sne.s32 s16, s8;
	[sflag:s12] =	ssyncset.done $0x0  }
.Ltmp6:
0x92: {  	s17 =	sadd.s32 $0x100, s17;
	[sflag:s12] =	ssyncadd.s32 $0xFFFFF800;
	(pc) =	sbr.rel @p0 .LBB2_1-.Ltmp6, $4  }
0x93: {  	[hbm4b:s17+s4] =	stream.linear.scatter [tilespmem:s13], [sflag:$0x2], $0x800, $0x38;
	[tilespmem:$0x1A800] =	vst v63  }
0x94: {  	_ =	swait.ge [sflag:s12], $0x800  }
0x95: {  	[sflag:s12] =	ssyncset.done $0x0  }
0x96: {  	[sflag:s12] =	ssyncadd.s32 $0xFFFFF800  }
0x97: {  	_ =	sfence.sel $0x180000  }
0x98: {  	[bflag:$0x0] =	sbarrier.arrive $0xFFFF  }
0x99: {  	p0 =	sne.s32 s2, $0x0;
	_ =	strace $0x9000004A  }
0x9a: {  	s0 =	sadd.s32 @!p0 $0x100000, s0;
	[bflag:$0x2] =	sbarrier.arrive $0xFFFF  }
0x9b: {  	[sflag:s0] =	ssyncadd.tile.s32 @!p0 $0x1;
	_ =	shalt  }
.Lfunc_end2:
_tile_overlayer_lowered:
.L_overlay_start_2:
0x9c: {  	(tag) =	ssettag $0x2  }
0x9d: {  	s0 =	rddreg [dreg:$0x0];
	s2 =	stileid.u32  }
0x9e: {  	s1 =	rddreg [dreg:$0x1];
	p0 =	sne.s32 s2, $0x0  }
0x9f: {  	s3 =	rddreg [dreg:$0x2];
	[bflag:$0x3] =	sbarrier.arrive $0xFFFF;
	s2 =	simm.s32 @!p0 $0x1C02  }
0xa0: {  	[timem:s3], [sflag:s2] =	dma.local @!p0 [hbm:s0], s1  }
0xa1: {  	s0 =	simm.s32 @!p0 $0x2  }
0xa2: {  	_ =	swait.ge @!p0 [sflag:s0], s1  }
0xa3: {  	s1 =	ssub.s32 @!p0 $0x0, s1;
	[sflag:s0] =	ssyncset.done @!p0 $0x0  }
0xa4: {  	[sflag:s0] =	ssyncadd.s32 @!p0 s1  }
0xa5: {  	[bflag:$0x3] =	sbarrier.arrive $0xFFFF  }
0xa6: {  	_ =	shalt  }

// kernel: kernel.7.cloned.1.call-start
scs
__scs_entry_jumppad:
0x0: {  	(pc) =	sbr.rel $0x88, $3  }
0x1: {  	(tag) =	ssettag $0x0;
	lr =	simm.s32 $0x1  }
0x2: {  	[smem:$0x3F94] =	sst lr;
	_ =	strace $0xD0000000  }
0x3: {  	_ = 	snop  }
0x4: {  	_ = 	snop  }
0x5: {  	_ = 	snop  }
0x6: {  	_ = 	snop  }
0x7: {  	_ = 	snop  }
__scs_overlays_trampoline_lowered:
0x8: {  	[smem:$0x3FA3] =	sst s0  }
0x9: {  	[smem:$0x3FA4] =	sst s1  }
0xa: {  	[smem:$0x3FA5] =	sst s2  }
0xb: {  	[smem:$0x3FA6] =	sst s3  }
0xc: {  	[smem:$0x3FA7] =	sst s4  }
0xd: {  	[smem:$0x3FA8] =	sst s5  }
0xe: {  	[smem:$0x3FA9] =	sst s6  }
0xf: {  	[smem:$0x3FAA] =	sst s7  }
0x10: {  	[smem:$0x3FAB] =	sst s8  }
0x11: {  	[smem:$0x3FAC] =	sst s9;
	s0 =	simm.s32 @!p0 $0x0  }
0x12: {  	s1 =	sld [smem:$0x3F92];
	s0 =	simm.s32 @p0 $0x1  }
0x13: {  	[smem:$0x3FAD] =	sst s0;
	s0 =	simm.s32 @!p1 $0x0  }
0x14: {  	s2 =	sld [smem:$0x3F91];
	s0 =	simm.s32 @p1 $0x1  }
0x15: {  	[smem:$0x3FAE] =	sst s0;
	s0 =	simm.s32 @!p2 $0x0  }
0x16: {  	s3 =	sld [smem:$0x3FDB];
	s0 =	simm.s32 @p2 $0x1  }
0x17: {  	s4 =	simm.s32 $0x1BF5;
	[smem:$0x3FB0] =	sst s0  }
0x18: {  	s0 =	sld [smem:$0x3F93];
	_ =	swait.ge [sflag:s4], $0x0  }
0x19: {  	s7 =	sld [smem:$0x3F94]  }
0x1a: {  	s8 =	sadd.s32 $0xFFFFE003, lr  }
0x1b: {  	s9 =	sadd.s32 $0xFFFFFEF7, lr;
	s5 =	simm.s32 $0xFFFFFFFF;
	p2 =	slt.u32 s8, $0xFFFFF086  }
0x1c: {  	p1 =	slt.u32 s9, $0xF7A;
	s5 =	simm.s32 @!p2 $0x0  }
0x1d: {  	s5 =	simm.s32 @p1 $0x1;
	p0 =	seq.s32 s7, s2  }
0x1e: {  	s7 =	smul.u32 @!p0 $0xF7A, s2;
	p2 =	seq.s32 @!p0 s5, $0x0  }
0x1f: {  	s9 =	smul.u32 $0xF7A, s1;
	s8 =	simm.s32 @!p0 $0x1BF5;
	p2 =	por !p2, p0  }
0x20: {  	[sflag:s8] =	ssyncset.s32 @!p0 $0xFFFFF086;
	s6 =	sadd.s32 @!p0 s3, s7;
	s7 =	simm.s32 @!p0 $0x108  }
0x21: {  	s3 =	sadd.s32 s3, s9;
	s6 =	sadd.s32 @!p0 $0x88, s6;
	s7 =	simm.s32 @p2 $0x1082  }
0x22: {  	[simem:s7], [sflag:s8] =	dma.local @!p0 [hbm:s6], $0xF7A  }
0x23: {  	s9 =	sor.u32 $0xD0000000, s2;
	s6 =	simm.s32 $0x108;
	_ =	swait.ge @!p0 [sflag:s8], $0x0  }
0x24: {  	s3 =	sadd.s32 $0x88, s3;
	s6 =	simm.s32 @!p1 $0x1082;
	[sflag:s4] =	ssyncset.s32 $0xFFFFF086  }
0x25: {  	[simem:s6], [sflag:s4] =	dma.local [hbm:s3], $0xF7A  }
0x26: {  	[smem:$0x3F94] =	sst s1;
	(tag) =	ssettag s2;
	_ =	strace s9  }
0x27: {  	s1 =	sld [smem:$0x3FA4]  }
0x28: {  	s2 =	sld [smem:$0x3FA5]  }
0x29: {  	s4 =	sld [smem:$0x3FA7]  }
0x2a: {  	p0 =	seq.s32 s5, $0x0;
	s5 =	sld [smem:$0x3FA8]  }
0x2b: {  	s6 =	sld [smem:$0x3FA9]  }
0x2c: {  	s7 =	sld [smem:$0x3FAA]  }
0x2d: {  	s3 =	simm.s32 $0x108;
	s8 =	sld [smem:$0x3FAB]  }
0x2e: {  	s3 =	simm.s32 @!p0 $0x1082;
	s9 =	sld [smem:$0x3FAC]  }
0x2f: {  	lr =	sadd.s32 s0, s3;
	s0 =	sld [smem:$0x3FA3]  }
0x30: {  	s3 =	sld [smem:$0x3FA6]  }
0x31: {  	[smem:$0x3FAF] =	sst s10  }
0x32: {  	s10 =	sld [smem:$0x3FAD];
	_ =	sdelay $0x3  }
0x33: {  	p0 =	seq.s32 s10, $0x1;
	s10 =	sld [smem:$0x3FAF];
	_ =	sdelay $0x3  }
0x34: {  	[smem:$0x3FAF] =	sst s10  }
0x35: {  	s10 =	sld [smem:$0x3FAE];
	_ =	sdelay $0x3  }
0x36: {  	p1 =	seq.s32 s10, $0x1;
	s10 =	sld [smem:$0x3FAF];
	_ =	sdelay $0x3  }
0x37: {  	[smem:$0x3FAF] =	sst s10  }
0x38: {  	s10 =	sld [smem:$0x3FB0]  }
0x39: {  	_ = 	snop;
	(pc) =	sbr.ind lr, $3  }
0x3a: {  	_ = 	snop  }
0x3b: {  	_ = 	snop  }
0x3c: {  	p2 =	seq.s32 s10, $0x1;
	s10 =	sld [smem:$0x3FAF]  }
0x3d: {  	_ =	shalt  }
0x3e: {  	_ =	shalt  }
0x3f: {  	_ =	shalt  }
0x40: {  	_ =	shalt  }
0x41: {  	_ =	shalt  }
0x42: {  	_ =	shalt  }
0x43: {  	_ =	shalt  }
0x44: {  	_ =	shalt  }
0x45: {  	_ =	shalt  }
0x46: {  	_ =	shalt  }
0x47: {  	_ =	shalt  }
0x48: {  	_ =	shalt  }
0x49: {  	_ =	shalt  }
0x4a: {  	_ =	shalt  }
0x4b: {  	_ =	shalt  }
0x4c: {  	_ =	shalt  }
0x4d: {  	_ =	shalt  }
0x4e: {  	_ =	shalt  }
0x4f: {  	_ =	shalt  }
0x50: {  	_ =	shalt  }
0x51: {  	_ =	shalt  }
0x52: {  	_ =	shalt  }
0x53: {  	_ =	shalt  }
0x54: {  	_ =	shalt  }
0x55: {  	_ =	shalt  }
0x56: {  	_ =	shalt  }
0x57: {  	_ =	shalt  }
0x58: {  	_ =	shalt  }
0x59: {  	_ =	shalt  }
0x5a: {  	_ =	shalt  }
0x5b: {  	_ =	shalt  }
0x5c: {  	_ =	shalt  }
0x5d: {  	_ =	shalt  }
0x5e: {  	_ =	shalt  }
0x5f: {  	_ =	shalt  }
0x60: {  	_ =	shalt  }
0x61: {  	_ =	shalt  }
0x62: {  	_ =	shalt  }
0x63: {  	_ =	shalt  }
0x64: {  	_ =	shalt  }
0x65: {  	_ =	shalt  }
0x66: {  	_ =	shalt  }
0x67: {  	_ =	shalt  }
0x68: {  	_ =	shalt  }
0x69: {  	_ =	shalt  }
0x6a: {  	_ =	shalt  }
0x6b: {  	_ =	shalt  }
0x6c: {  	_ =	shalt  }
0x6d: {  	_ =	shalt  }
0x6e: {  	_ =	shalt  }
0x6f: {  	_ =	shalt  }
0x70: {  	_ =	shalt  }
0x71: {  	_ =	shalt  }
0x72: {  	_ =	shalt  }
0x73: {  	_ =	shalt  }
0x74: {  	_ =	shalt  }
0x75: {  	_ =	shalt  }
0x76: {  	_ =	shalt  }
0x77: {  	_ =	shalt  }
0x78: {  	_ =	shalt  }
0x79: {  	_ =	shalt  }
0x7a: {  	_ =	shalt  }
0x7b: {  	_ =	shalt  }
0x7c: {  	_ =	shalt  }
0x7d: {  	_ =	shalt  }
0x7e: {  	_ =	shalt  }
0x7f: {  	_ =	shalt  }
0x80: {  	_ =	shalt  }
0x81: {  	_ =	shalt  }
0x82: {  	_ =	shalt  }
0x83: {  	_ =	shalt  }
0x84: {  	_ =	shalt  }
0x85: {  	_ =	shalt  }
0x86: {  	_ =	shalt  }
0x87: {  	_ =	shalt  }
.Lfunc_end0:
.L_simem_size_0:
called_computation_lowered:
.L_overlay_start_0:
0x88: {  	s2 =	sld [smem:$0x3FD9]  }
0x89: {  	s3 =	sld [smem:$0x3FFE];
	_ =	sdelay $0x1  }
0x8a: {  	s1 =	srdreg.scid  }
0x8b: {  	s0 =	sand.u32 $0x1, s1  }
0x8c: {  	s17 =	sshll.u32 s0, $0xA;
	s2 =	sadd.s32 s3, s2  }
0x8d: {  	s2 =	sadd.s32 s2, s17  }
0x8e: {  	[smem:$0x3FBB] =	sst s2  }
0x8f: {  	_ = 	snop  }
0x90: {  	s2 =	sld [smem:$0x3FD0];
	(tm) =	ssettm $0x1  }
0x91: {  	s18 =	sld [smem:$0x3FFB];
	_ =	sdelay $0x3  }
0x92: {  	_ =	strace s18  }
0x93: {  	s3 =	sld [smem:$0x3FFC];
	_ =	sdelay $0x3  }
0x94: {  	_ =	strace s3  }
0x95: {  	s3 =	sld [smem:$0x3FFD];
	_ =	sdelay $0x3  }
0x96: {  	_ =	strace s3  }
0x97: {  	_ =	strace $0x8FFFFFFF  }
0x98: {  	s19 =	sld [smem:$0x3FDB];
	_ =	sdelay $0x1  }
0x99: {  	s4 =	simm.s32 $_scs_section_size  }
0x9a: {  	s5 =	simm.s32 $_size__tile_overlayer_lowered;
	s6 =	simm.s32 $_tile_overlayer_lowered  }
0x9b: {  	s22 =	simm.s32 $0x1BFF;
	s21 =	sshll.u32 s6, $0x1;
	s3 =	sadd.s32 s4, s19  }
0x9c: {  	s7 =	simm.s32 $0x0;
	s20 =	sshll.u32 s5, $0x1;
	s5 =	sadd.s32 s21, s3  }
0x9d: {  	[timem:s7], [sflag:s22] =	dma.local [hbm:s5], s20  }
0x9e: {  	_ =	swait.ge [sflag:s22], s20  }
0x9f: {  	s4 =	ssub.s32 $0x0, s20;
	[sflag:s22] =	ssyncset.done $0x0  }
0xa0: {  	[sflag:s22] =	ssyncadd.s32 s4;
	_ =	sdelay $0x1  }
0xa1: {  	s23 =	simm.s32 $0x1B8B  }
0xa2: {  	_ =	swait.ge [sflag:s23], $0x1  }
0xa3: {  	[sflag:s23] =	ssyncset.done $0x0  }
0xa4: {  	s25 =	simm.s32 $0x1B8E;
	s24 =	sld [smem:$0x3FFE];
	[sflag:s23] =	ssyncadd.s32 $0xFFFFFFFF  }
0xa5: {  	s26 =	simm.s32 $execute0_lowered;
	[smem:$0x3FD2] =	sst s25  }
0xa6: {  	s5 =	sshll.u32 s26, $0x1;
	_ =	strace $0x80000046;
	[dreg:$0x1] =	wrdreg $0xFFFFFFFF  }
0xa7: {  	s28 =	simm.s32 $_size_execute0_lowered;
	s3 =	sadd.s32 s3, s5;
	[dreg:$0x0] =	wrdreg $0x0  }
0xa8: {  	s5 =	sshll.u32 s28, $0x1;
	[dreg:$0x2] =	wrdreg s3  }
0xa9: {  	[dreg:$0x3] =	wrdreg s5  }
0xaa: {  	[dreg:$0x4] =	wrdreg $0xC0  }
0xab: {  	_ =	task [dreg:s7], $0x5FFFF  }
0xac: {  	[dreg:$0x1] =	wrdreg $0xFFFFFFFF  }
0xad: {  	[dreg:$0x0] =	wrdreg $0x60  }
0xae: {  	[dreg:$0x2] =	wrdreg s24  }
0xaf: {  	[dreg:$0x3] =	wrdreg s2  }
0xb0: {  	[dreg:$0x4] =	wrdreg $0x9  }
0xb1: {  	_ =	task.clear_ibuf [dreg:s7], $0x5FFFF;
	_ =	strace $0x90000046  }
0xb2: {  	s29 =	simm.s32 $0x9;
	_ =	strace $0x80000048  }
0xb3: {  	_ =	swait.ge [sflag:s29], $0x1  }
0xb4: {  	[sflag:s29] =	ssyncadd.s32 $0xFFFFFFFF  }
0xb5: {  	_ =	strace $0x90000048  }
0xb6: {  	_ =	sfence  }
0xb7: {  	s30 =	sld [smem:$0x0];
	_ =	sdelay $0x2  }
0xb8: {  	s31 =	sshll.u32 s1, $0xD;
	s1 =	sshrl.u32 s1, $0x2  }
0xb9: {  	s3 =	sand.u32 $0x4000, s31;
	s1 =	sadd.s32 s1, s30  }
0xba: {  	s0 =	sor.u32 s3, s0;
	s1 =	sshll.u32 s1, $0x11  }
0xbb: {  	s0 =	sor.u32 s1, s0  }
0xbc: {  	s0 =	sadd.s32 $0x8F2B, s0  }
0xbd: {  	[sflag:s0] =	ssyncadd.remote.s32 $0x1  }
0xbe: {  	_ =	sfence.sel $0xFFFF  }
0xbf: {  	[dreg:$0x0] =	wrdreg $0xFFFFFFFF;
	(pc) =	sbr.abs _section_cstart, $3  }
0xc0: {  	[dreg:$0x1] =	wrdreg $0xFFFFFFFF  }
0xc1: {  	_ =	task.clear_ibuf [dreg:s7], $0x2FFFF;
	_ =	strace $0x9FFFFFFF  }
0xc2: {  	(tm) =	ssettm $0x7FFFFFFF  }
0xc3: {  	_ =	shalt  }
tec
execute0_lowered:
.L_overlay_start_1:
0x0: {  	(tag) =	ssettag $0x1  }
0x1: {  	s0 =	srdreg.scid;
	s6 =	rddreg [dreg:$0x0]  }
0x2: {  	s7 =	rddreg [dreg:$0x1];
	s1 =	stileid.u32;
	s2 =	simm.s32 $0x0  }
0x3: {  	s13 =	simm.s32 $0x80;
	s14 =	simm.s32 $0x5000;
	s15 =	simm.s32 $0x9000  }
0x4: {  	s16 =	simm.s32 $0xD000;
	s17 =	simm.s32 $0x1;
	s18 =	simm.s32 $0x2  }
0x5: {  	s19 =	simm.s32 $0x3;
	s5 =	sand.u32 $0x1, s0;
	s0 =	rddreg [dreg:$0x2]  }
0x6: {  	s20 =	simm.s32 $0x0;
	[smem:$0x7FF] =	sst s2;
	s4 =	sadd.s32 $0x36200, s6  }
0x7: {  	s11 =	smul.u32 $0x28000, s1;
	s3 =	sshll.u32 s5, $0x4;
	_ =	strace $0x80000047  }
0x8: {  	s9 =	smul.u32 $0x280000, s5;
	s10 =	ssub.s32 $0x2, s5;
	s3 =	sor.u32 s1, s3  }
0x9: {  	s5 =	sadd.s32 $0x5E200, s6;
	s12 =	sshrl.u32 s10, $0x1;
	s8 =	smul.u32 $0x500, s3  }
0xa: {  	s3 =	sadd.s32 $0xE200, s6;
	s9 =	sadd.s32 s9, s6;
	s10 =	ssub.s32 s10, s12  }
0xb: {  	s12 =	simm.s32 $0x4;
	s11 =	sadd.s32 s11, s9;
	s9 =	smax.u32 s10, $0x1  }
0xc: {  	s6 =	sadd.s32 s8, s6;
	s7 =	sadd.s32 s7, s8;
	s8 =	sadd.s32 $0xA86200, s11  }
0xd: {  	s10 =	sadd.s32 $0x586200, s11;
	s11 =	sadd.s32 $0x86200, s11;
	s6 =	sadd.s32 $0x4200, s6  }
.LBB2_1:
0xe: {  	[tilespmem:s2], [sflag:$0x4] =	stream.linear.gather [hbm4b:s6+s2], $0x2800, $0x38;
	[tilespmem:$0x11000] =	vst v63  }
0xf: {  	_ =	swait.ge [sflag:s12], $0x2800  }
0x10: {  	[sflag:s12] =	ssyncset.done $0x0  }
0x11: {  	s21 =	simm.s32 $0x2800;
	[sflag:s12] =	ssyncadd.s32 $0xFFFFD800  }
0x12: {  	[tilespmem:s21], [sflag:$0x4] =	stream.linear.gather [hbm4b:s7+s2], $0x2800, $0x38;
	[tilespmem:$0x11000] =	vst v63  }
0x13: {  	_ =	swait.ge [sflag:s12], $0x2800  }
0x14: {  	[sflag:s12] =	ssyncset.done $0x0  }
0x15: {  	[sflag:s12] =	ssyncadd.s32 $0xFFFFD800  }
0x16: {  	[tilespmem:s14], [sflag:$0x1] =	stream.indirect.gather [hbm4b:s3+s13], $0x80, s2, s13, $0xb8;
	[tilespmem:$0x11000] =	vst v63  }
0x17: {  	_ = 	snop  }
0x18: {  	[tilespmem:s15], [sflag:$0x2] =	stream.indirect.gather [hbm4b:s4+s13], $0x80, s21, s13, $0xb8;
	[tilespmem:$0x11000] =	vst v63  }
0x19: {  	_ = 	snop  }
0x1a: {  	[tilespmem:s16], [sflag:$0x3] =	stream.indirect.gather [hbm4b:s5+s13], $0x80, s21, s13, $0xb8;
	[tilespmem:$0x11000] =	vst v63  }
0x1b: {  	_ =	swait.ge [sflag:s17], $0x4000  }
0x1c: {  	[sflag:s17] =	ssyncset.done $0x0  }
0x1d: {  	[sflag:s17] =	ssyncadd.s32 $0xFFFFC000  }
0x1e: {  	_ =	swait.ge [sflag:s18], $0x4000  }
0x1f: {  	[sflag:s18] =	ssyncset.done $0x0  }
0x20: {  	[sflag:s18] =	ssyncadd.s32 $0xFFFFC000  }
0x21: {  	_ =	swait.ge [sflag:s19], $0x4000  }
0x22: {  	[sflag:s19] =	ssyncset.done $0x0  }
0x23: {  	s22 =	sadd.s32 $0x0, s11;
	[sflag:s19] =	ssyncadd.s32 $0xFFFFC000  }
0x24: {  	[hbm4b:s22+s2] =	stream.linear.scatter [tilespmem:s14], [sflag:$0x4], $0x4000, $0x38;
	[tilespmem:$0x11000] =	vst v63  }
0x25: {  	_ =	swait.ge [sflag:s12], $0x4000  }
0x26: {  	[sflag:s12] =	ssyncset.done $0x0  }
0x27: {  	s30 =	sadd.s32 $0x0, s10;
	[sflag:s12] =	ssyncadd.s32 $0xFFFFC000  }
0x28: {  	[hbm4b:s30+s2] =	stream.linear.scatter [tilespmem:s15], [sflag:$0x4], $0x4000, $0x38;
	[tilespmem:$0x11000] =	vst v63  }
0x29: {  	_ =	swait.ge [sflag:s12], $0x4000  }
0x2a: {  	[sflag:s12] =	ssyncset.done $0x0  }
0x2b: {  	s31 =	sadd.s32 $0x0, s8;
	[sflag:s12] =	ssyncadd.s32 $0xFFFFC000  }
0x2c: {  	[hbm4b:s31+s2] =	stream.linear.scatter [tilespmem:s16], [sflag:$0x4], $0x4000, $0x38;
	[tilespmem:$0x11000] =	vst v63  }
0x2d: {  	_ =	swait.ge [sflag:s12], $0x4000  }
0x2e: {  	s23 =	simm.s32 $0x0;
	s22 =	simm.s32 $0x800;
	[sflag:s12] =	ssyncset.done $0x0  }
.LBB2_2:
0x2f: {  	[sflag:s12] =	ssyncadd.s32 $0xFFFFC000;
	s23 =	sadd.s32 $0x80, s23;
	s21 =	sadd.s32 $0x80, s21  }
0x30: {  	[tilespmem:s14], [sflag:$0x1] =	stream.indirect.gather [hbm4b:s3+s13], $0x80, s23, s13, $0xb8;
	[tilespmem:$0x11000] =	vst v63  }
0x31: {  	p0 =	sne.s32 s22, $0x27800;
	s24 =	smov.u32 s22;
	s22 =	sadd.s32 $0x800, s22  }
0x32: {  	[tilespmem:s15], [sflag:$0x2] =	stream.indirect.gather [hbm4b:s4+s13], $0x80, s21, s13, $0xb8;
	[tilespmem:$0x11000] =	vst v63  }
0x33: {  	_ = 	snop  }
0x34: {  	[tilespmem:s16], [sflag:$0x3] =	stream.indirect.gather [hbm4b:s5+s13], $0x80, s21, s13, $0xb8;
	[tilespmem:$0x11000] =	vst v63  }
0x35: {  	_ =	swait.ge [sflag:s17], $0x4000  }
0x36: {  	[sflag:s17] =	ssyncset.done $0x0  }
0x37: {  	[sflag:s17] =	ssyncadd.s32 $0xFFFFC000  }
0x38: {  	_ =	swait.ge [sflag:s18], $0x4000  }
0x39: {  	[sflag:s18] =	ssyncset.done $0x0  }
0x3a: {  	[sflag:s18] =	ssyncadd.s32 $0xFFFFC000  }
0x3b: {  	_ =	swait.ge [sflag:s19], $0x4000  }
0x3c: {  	[sflag:s19] =	ssyncset.done $0x0  }
0x3d: {  	s25 =	sadd.s32 s24, s11;
	[sflag:s19] =	ssyncadd.s32 $0xFFFFC000  }
0x3e: {  	[hbm4b:s25+s2] =	stream.linear.scatter [tilespmem:s14], [sflag:$0x4], $0x4000, $0x38;
	[tilespmem:$0x11000] =	vst v63  }
0x3f: {  	_ =	swait.ge [sflag:s12], $0x4000  }
0x40: {  	[sflag:s12] =	ssyncset.done $0x0  }
0x41: {  	s25 =	sadd.s32 s24, s10;
	[sflag:s12] =	ssyncadd.s32 $0xFFFFC000  }
0x42: {  	[hbm4b:s25+s2] =	stream.linear.scatter [tilespmem:s15], [sflag:$0x4], $0x4000, $0x38;
	[tilespmem:$0x11000] =	vst v63  }
0x43: {  	_ =	swait.ge [sflag:s12], $0x4000  }
.Ltmp0:
0x44: {  	[sflag:s12] =	ssyncset.done $0x0;
	(pc) =	sbr.rel @p0 .LBB2_2-.Ltmp0, $4  }
0x45: {  	s24 =	sadd.s32 s24, s8;
	[sflag:s12] =	ssyncadd.s32 $0xFFFFC000  }
0x46: {  	[hbm4b:s24+s2] =	stream.linear.scatter [tilespmem:s16], [sflag:$0x4], $0x4000, $0x38;
	[tilespmem:$0x11000] =	vst v63  }
0x47: {  	_ =	swait.ge [sflag:s12], $0x4000  }
0x48: {  	[sflag:s12] =	ssyncset.done $0x0  }
0x49: {  	s20 =	sadd.s32 $0x1, s20  }
0x4a: {  	p0 =	sne.s32 s20, s9  }
.Ltmp1:
0x4b: {  	_ = 	snop;
	(pc) =	sbr.rel @p0 .LBB2_1-.Ltmp1, $2  }
0x4c: {  	_ =	sdelay $0x2  }
0x4d: {  	[sflag:s12] =	ssyncadd.s32 $0xFFFFC000  }
0x4e: {  	_ =	sfence.sel $0x180000  }
0x4f: {  	[bflag:$0x0] =	sbarrier.arrive $0xFFFF  }
0x50: {  	p0 =	sne.s32 s1, $0x0;
	_ =	strace $0x90000047  }
0x51: {  	s0 =	sadd.s32 @!p0 $0x100000, s0;
	[bflag:$0x2] =	sbarrier.arrive $0xFFFF  }
0x52: {  	[sflag:s0] =	ssyncadd.tile.s32 @!p0 $0x1;
	_ =	shalt  }
.Lfunc_end2:
_tile_overlayer_lowered:
.L_overlay_start_2:
0x53: {  	(tag) =	ssettag $0x2  }
0x54: {  	s0 =	rddreg [dreg:$0x0];
	s2 =	stileid.u32  }
0x55: {  	s1 =	rddreg [dreg:$0x1];
	p0 =	sne.s32 s2, $0x0  }
0x56: {  	s3 =	rddreg [dreg:$0x2];
	[bflag:$0x3] =	sbarrier.arrive $0xFFFF;
	s2 =	simm.s32 @!p0 $0x1C04  }
0x57: {  	[timem:s3], [sflag:s2] =	dma.local @!p0 [hbm:s0], s1  }
0x58: {  	s0 =	simm.s32 @!p0 $0x4  }
0x59: {  	_ =	swait.ge @!p0 [sflag:s0], s1  }
0x5a: {  	s1 =	ssub.s32 @!p0 $0x0, s1;
	[sflag:s0] =	ssyncset.done @!p0 $0x0  }
0x5b: {  	[sflag:s0] =	ssyncadd.s32 @!p0 s1  }
0x5c: {  	[bflag:$0x3] =	sbarrier.arrive $0xFFFF  }
0x5d: {  	_ =	shalt  }

</sc_bundles>
